<compile_context>
chip_gen: v7x
topology: tpu7x:2x2x1
jax: 0.10.2.dev20260603
libtpu: 0.0.44.dev20260713+nightly
codegen_flags: <defaults>
</compile_context>

<pallas_src>
import functools

import jax
import jax.numpy as jnp
from jax import lax
from jax.experimental import pallas as pl
from jax.experimental.pallas import tpu as pltpu
from jax.experimental.pallas import tpu_sc as plsc

F = 26
B = 16384
FD = 100000
NC, NS, L = 2, 16, 16
NW = NC * NS
BPW = B // NW
CHUNK = F * BPW
NJ = BPW // L
BOUNDS = (0, 2, 5, 9, 14, 20, F)
NS_STREAMS = len(BOUNDS) - 1


def kernel(x, W, bias):
    xt = jnp.swapaxes(x, 0, 1)
    wf = jnp.pad(W, ((0, 960), (0, 0))).reshape(-1)
    b16 = jnp.broadcast_to(bias.astype(jnp.float32), (L,))

    mesh = plsc.VectorSubcoreMesh(core_axis_name="c", subcore_axis_name="s")

    @functools.partial(
        pl.kernel,
        mesh=mesh,
        out_type=jax.ShapeDtypeStruct((B,), jnp.float32),
        compiler_params=pltpu.CompilerParams(needs_layout_passes=False),
        scratch_types=[
            pltpu.VMEM((F, BPW), jnp.int32),
            pltpu.VMEM((CHUNK,), jnp.int32),
            pltpu.VMEM((CHUNK,), jnp.float32),
            pltpu.VMEM((L,), jnp.float32),
            pltpu.VMEM((BPW,), jnp.float32),
            pltpu.SemaphoreType.DMA,
        ],
    )
    def sc_kernel(x_hbm, w_hbm, b_hbm, out_hbm, xv, idx_v, rows_v, bias_v, acc_v, sem):
        wid = lax.axis_index("s") * NC + lax.axis_index("c")
        pltpu.sync_copy(x_hbm.at[:, pl.ds(wid * BPW, BPW)], xv)
        pltpu.sync_copy(b_hbm, bias_v)

        copies = []
        for s in range(NS_STREAMS):
            f_lo, f_hi = BOUNDS[s], BOUNDS[s + 1]

            def mk_idx(j, carry, f_lo=f_lo, f_hi=f_hi):
                for f in range(f_lo, f_hi):
                    idx_v[pl.ds(f * BPW + j * L, L)] = xv[f, pl.ds(j * L, L)] + f * FD
                return carry

            lax.fori_loop(0, NJ, mk_idx, 0)
            copies.append(
                pltpu.async_copy(
                    w_hbm.at[idx_v.at[pl.ds(f_lo * BPW, (f_hi - f_lo) * BPW)]],
                    rows_v.at[pl.ds(f_lo * BPW, (f_hi - f_lo) * BPW)],
                    sem,
                )
            )

        for s in range(NS_STREAMS):
            copies[s].wait()
            first, last = s == 0, s == NS_STREAMS - 1
            f_lo, f_hi = BOUNDS[s], BOUNDS[s + 1]

            def accum(j, carry, f_lo=f_lo, f_hi=f_hi, first=first, last=last):
                a = bias_v[...] if first else acc_v[pl.ds(j * L, L)]
                for f in range(f_lo, f_hi):
                    a = a + rows_v[pl.ds(f * BPW + j * L, L)]
                if last:
                    a = 1.0 / (1.0 + jnp.exp(-a))
                acc_v[pl.ds(j * L, L)] = a
                return carry

            lax.fori_loop(0, NJ, accum, 0)

        pltpu.sync_copy(acc_v, out_hbm.at[pl.ds(wid * BPW, BPW)])

    return sc_kernel(xt, wf, b16)

# --- scband reference (transcript-rebuilt; emitter-appended) ---
"""Pipeline reference for scband-logistic-regression-72103910965900 (READ-ONLY COPY).

The authoritative reference and input builder live on the scoring server;
editing this copy changes nothing except your own understanding.
"""

import jax, jax.numpy as jnp
import numpy as np

FIELD_DIMS = [100000] * 26
BATCH = 16384
NUM_FIELDS = len(FIELD_DIMS)
TOTAL_ROWS = int(np.sum(FIELD_DIMS))


def setup_inputs(seed: int = 0) -> dict:
    key = jax.random.key(seed)
    k1, k2 = jax.random.split(key, 2)
    # per-field indices in [0, field_dim)
    x = jax.random.randint(k1, (BATCH, NUM_FIELDS), 0, FIELD_DIMS[0], dtype=jnp.int32)
    # Linear_Embedder params: embedding table [sum(field_dims), 1] + scalar bias
    W = 0.01 * jax.random.normal(k2, (TOTAL_ROWS, 1), dtype=jnp.float32)
    bias = jnp.zeros((1,), dtype=jnp.float32)
    return {"x": x, "W": W, "bias": bias}


def reference(x, W, bias):
    # FM-style linear term: offset each field's index into the shared table,
    # gather 1-dim embeddings, sum over fields, add bias, then sigmoid.
    offsets = jnp.asarray(
        np.array((0, *np.cumsum(FIELD_DIMS)[:-1]), dtype=np.int32)
    )
    idx = x + offsets[None, :]                    # [B, F]
    emb = jnp.take(W, idx, axis=0)                # [B, F, 1]
    lin = jnp.sum(emb, axis=1) + bias             # [B, 1]
    return jax.nn.sigmoid(jnp.squeeze(lin, axis=1))  # [B]

if __name__ == "__main__":
    import jax
    _d = setup_inputs()
    print(jax.jit(kernel)(*tuple(_d.values())))

</pallas_src>

<mosaic_0001>
#map = affine_map<(d0, d1) -> (0, 0)>
#map1 = affine_map<(d0, d1) -> (0)>
module attributes {stable_mosaic.version = 14 : i64} {
  func.func @sc_kernel(%arg0: i32, %arg1: i32, %arg2: memref<26x16384xi32, #tpu.memory_space<hbm>>, %arg3: memref<2600960xf32, #tpu.memory_space<hbm>>, %arg4: memref<16xf32, #tpu.memory_space<hbm>>, %arg5: memref<16384xf32, #tpu.memory_space<hbm>>, %arg6: memref<26x512xi32, #tpu.memory_space<vmem>>, %arg7: memref<13312xi32, #tpu.memory_space<vmem>>, %arg8: memref<13312xf32, #tpu.memory_space<vmem>>, %arg9: memref<16xf32, #tpu.memory_space<vmem>>, %arg10: memref<512xf32, #tpu.memory_space<vmem>>, %arg11: memref<!tpu.dma_semaphore, #tpu.memory_space<semaphore_mem>>) attributes {dimension_semantics = [#tpu.dimension_semantics<core_parallel>, #tpu.dimension_semantics<subcore_parallel>], iteration_bounds = array<i64: 2, 16>, scalar_prefetch = 0 : i64, scratch_operands = 6 : i64, tpu.core_type = #tpu.core_type<sc_vector_subcore>, window_params = [{transform_indices = #map}, {transform_indices = #map1}, {transform_indices = #map1}, {transform_indices = #map1}]} {
    %mul3A = arith.constant 2 : i32
    %mul3A_0 = arith.muli %arg1, %mul3A : i32
    %add3A = arith.addi %mul3A_0, %arg0 : i32
    %mul3A_1 = arith.constant 512 : i32
    %mul3A_2 = arith.muli %add3A, %mul3A_1 : i32
    "tpu.region"() ({
      %run_scoped3A = tpu.sem_alloc : memref<!tpu.dma_semaphore, #tpu.memory_space<semaphore_mem>>
      %dma_start3A_146 = arith.constant 0 : i32
      %dma_start3A_147 = tpu.memref_slice %arg2[%dma_start3A_146, %mul3A_2] : memref<26x16384xi32, #tpu.memory_space<hbm>> -> memref<26x512xi32, #tpu.memory_space<hbm>>
      %dma_start3A_148 = arith.constant 0 : i32
      %dma_start3A_149 = tpu.memref_slice %arg2[%dma_start3A_148, %mul3A_2] : memref<26x16384xi32, #tpu.memory_space<hbm>> -> memref<26x512xi32, #tpu.memory_space<hbm>>
      tpu.enqueue_dma source(%dma_start3A_149 : memref<26x512xi32, #tpu.memory_space<hbm>>) target(%arg6 : memref<26x512xi32, #tpu.memory_space<vmem>>) target_semaphore(%run_scoped3A : memref<!tpu.dma_semaphore, #tpu.memory_space<semaphore_mem>>)
      %dma_wait3A_150 = arith.constant 0 : i32
      %dma_wait3A_151 = tpu.memref_slice %arg2[%dma_wait3A_150, %mul3A_2] : memref<26x16384xi32, #tpu.memory_space<hbm>> -> memref<26x512xi32, #tpu.memory_space<hbm>>
      %dma_wait3A_152 = arith.constant 0 : i32
      %dma_wait3A_153 = tpu.memref_slice %arg2[%dma_wait3A_152, %mul3A_2] : memref<26x16384xi32, #tpu.memory_space<hbm>> -> memref<26x512xi32, #tpu.memory_space<hbm>>
      tpu.wait_dma2 semaphore(%run_scoped3A : memref<!tpu.dma_semaphore, #tpu.memory_space<semaphore_mem>>) src(%dma_wait3A_153 : memref<26x512xi32, #tpu.memory_space<hbm>>) dst(%arg6 : memref<26x512xi32, #tpu.memory_space<vmem>>)
      tpu.yield
    }) : () -> ()
    "tpu.region"() ({
      %run_scoped3A = tpu.sem_alloc : memref<!tpu.dma_semaphore, #tpu.memory_space<semaphore_mem>>
      tpu.enqueue_dma source(%arg4 : memref<16xf32, #tpu.memory_space<hbm>>) target(%arg9 : memref<16xf32, #tpu.memory_space<vmem>>) target_semaphore(%run_scoped3A : memref<!tpu.dma_semaphore, #tpu.memory_space<semaphore_mem>>)
      tpu.wait_dma2 semaphore(%run_scoped3A : memref<!tpu.dma_semaphore, #tpu.memory_space<semaphore_mem>>) src(%arg4 : memref<16xf32, #tpu.memory_space<hbm>>) dst(%arg9 : memref<16xf32, #tpu.memory_space<vmem>>)
      tpu.yield
    }) : () -> ()
    %scan3A = arith.constant 0 : i32
    %scan3A_3 = arith.constant 0 : i32
    %scan3A_4 = arith.constant 32 : i32
    %scan3A_5 = arith.addi %scan3A_3, %scan3A_4 : i32
    %scan3A_6 = arith.constant 1 : i32
    scf.for %scan3A_146 = %scan3A_3 to %scan3A_5 step %scan3A_6  : i32 {
      %mul3A_147 = arith.constant 16 : i32
      %mul3A_148 = arith.muli %scan3A_146, %mul3A_147 : i32
      %get3A = arith.constant 0 : i32
      %get3A_149 = arith.index_cast %get3A : i32 to index
      %get3A_150 = arith.index_cast %mul3A_148 : i32 to index
      %get3A_151 = tpu.vector_load %arg6[%get3A_149, %get3A_150] {strides = array<i32>} : memref<26x512xi32, #tpu.memory_space<vmem>>, vector<16xi32>,
      %add3A_152 = arith.constant 0 : i32
      %add3A_153 = vector.broadcast %add3A_152 : i32 to vector<16xi32>
      %add3A_154 = arith.addi %get3A_151, %add3A_153 : vector<16xi32>
      %mul3A_155 = arith.constant 16 : i32
      %mul3A_156 = arith.muli %scan3A_146, %mul3A_155 : i32
      %add3A_157 = arith.constant 0 : i32
      %add3A_158 = arith.addi %add3A_157, %mul3A_156 : i32
      %swap3A = arith.index_cast %add3A_158 : i32 to index
      %swap3A_159 = tpu.vector_load %arg7[%swap3A] {strides = array<i32>} : memref<13312xi32, #tpu.memory_space<vmem>>, vector<16xi32>,
      tpu.vector_store %arg7[%swap3A], %add3A_154 {strides = array<i32>} : memref<13312xi32, #tpu.memory_space<vmem>>, vector<16xi32>,
      %mul3A_160 = arith.constant 16 : i32
      %mul3A_161 = arith.muli %scan3A_146, %mul3A_160 : i32
      %get3A_162 = arith.constant 1 : i32
      %get3A_163 = arith.index_cast %get3A_162 : i32 to index
      %get3A_164 = arith.index_cast %mul3A_161 : i32 to index
      %get3A_165 = tpu.vector_load %arg6[%get3A_163, %get3A_164] {strides = array<i32>} : memref<26x512xi32, #tpu.memory_space<vmem>>, vector<16xi32>,
      %add3A_166 = arith.constant 100000 : i32
      %add3A_167 = vector.broadcast %add3A_166 : i32 to vector<16xi32>
      %add3A_168 = arith.addi %get3A_165, %add3A_167 : vector<16xi32>
      %mul3A_169 = arith.constant 16 : i32
      %mul3A_170 = arith.muli %scan3A_146, %mul3A_169 : i32
      %add3A_171 = arith.constant 512 : i32
      %add3A_172 = arith.addi %add3A_171, %mul3A_170 : i32
      %swap3A_173 = arith.index_cast %add3A_172 : i32 to index
      %swap3A_174 = tpu.vector_load %arg7[%swap3A_173] {strides = array<i32>} : memref<13312xi32, #tpu.memory_space<vmem>>, vector<16xi32>,
      tpu.vector_store %arg7[%swap3A_173], %add3A_168 {strides = array<i32>} : memref<13312xi32, #tpu.memory_space<vmem>>, vector<16xi32>,
    }
    %scan3A_7 = arith.constant 32 : i32
    %dma_start3A = arith.constant 0 : i32
    %dma_start3A_8 = tpu.memref_slice %arg8[%dma_start3A] : memref<13312xf32, #tpu.memory_space<vmem>> -> memref<1024xf32, #tpu.memory_space<vmem>>
    %dma_start3A_9 = arith.constant 0 : i32
    %dma_start3A_10 = tpu.memref_slice %arg7[%dma_start3A_9] : memref<13312xi32, #tpu.memory_space<vmem>> -> memref<1024xi32, #tpu.memory_space<vmem>>
    %dma_start3A_11 = arith.constant 0 : i32
    %dma_start3A_12 = tpu.memref_slice %arg3[%dma_start3A_11] : memref<2600960xf32, #tpu.memory_space<hbm>> -> memref<2600960xf32, #tpu.memory_space<hbm>>
    tpu.enqueue_indirect_dma source(%dma_start3A_12 : memref<2600960xf32, #tpu.memory_space<hbm>>) target(%dma_start3A_8 : memref<1024xf32, #tpu.memory_space<vmem>>) offsets(%dma_start3A_10 : memref<1024xi32, #tpu.memory_space<vmem>>) semaphore(%arg11 : memref<!tpu.dma_semaphore, #tpu.memory_space<semaphore_mem>>)
    %scan3A_13 = arith.constant 0 : i32
    %scan3A_14 = arith.constant 0 : i32
    %scan3A_15 = arith.constant 32 : i32
    %scan3A_16 = arith.addi %scan3A_14, %scan3A_15 : i32
    %scan3A_17 = arith.constant 1 : i32
    scf.for %scan3A_146 = %scan3A_14 to %scan3A_16 step %scan3A_17  : i32 {
      %mul3A_147 = arith.constant 16 : i32
      %mul3A_148 = arith.muli %scan3A_146, %mul3A_147 : i32
      %get3A = arith.constant 2 : i32
      %get3A_149 = arith.index_cast %get3A : i32 to index
      %get3A_150 = arith.index_cast %mul3A_148 : i32 to index
      %get3A_151 = tpu.vector_load %arg6[%get3A_149, %get3A_150] {strides = array<i32>} : memref<26x512xi32, #tpu.memory_space<vmem>>, vector<16xi32>,
      %add3A_152 = arith.constant 200000 : i32
      %add3A_153 = vector.broadcast %add3A_152 : i32 to vector<16xi32>
      %add3A_154 = arith.addi %get3A_151, %add3A_153 : vector<16xi32>
      %mul3A_155 = arith.constant 16 : i32
      %mul3A_156 = arith.muli %scan3A_146, %mul3A_155 : i32
      %add3A_157 = arith.constant 1024 : i32
      %add3A_158 = arith.addi %add3A_157, %mul3A_156 : i32
      %swap3A = arith.index_cast %add3A_158 : i32 to index
      %swap3A_159 = tpu.vector_load %arg7[%swap3A] {strides = array<i32>} : memref<13312xi32, #tpu.memory_space<vmem>>, vector<16xi32>,
      tpu.vector_store %arg7[%swap3A], %add3A_154 {strides = array<i32>} : memref<13312xi32, #tpu.memory_space<vmem>>, vector<16xi32>,
      %mul3A_160 = arith.constant 16 : i32
      %mul3A_161 = arith.muli %scan3A_146, %mul3A_160 : i32
      %get3A_162 = arith.constant 3 : i32
      %get3A_163 = arith.index_cast %get3A_162 : i32 to index
      %get3A_164 = arith.index_cast %mul3A_161 : i32 to index
      %get3A_165 = tpu.vector_load %arg6[%get3A_163, %get3A_164] {strides = array<i32>} : memref<26x512xi32, #tpu.memory_space<vmem>>, vector<16xi32>,
      %add3A_166 = arith.constant 300000 : i32
      %add3A_167 = vector.broadcast %add3A_166 : i32 to vector<16xi32>
      %add3A_168 = arith.addi %get3A_165, %add3A_167 : vector<16xi32>
      %mul3A_169 = arith.constant 16 : i32
      %mul3A_170 = arith.muli %scan3A_146, %mul3A_169 : i32
      %add3A_171 = arith.constant 1536 : i32
      %add3A_172 = arith.addi %add3A_171, %mul3A_170 : i32
      %swap3A_173 = arith.index_cast %add3A_172 : i32 to index
      %swap3A_174 = tpu.vector_load %arg7[%swap3A_173] {strides = array<i32>} : memref<13312xi32, #tpu.memory_space<vmem>>, vector<16xi32>,
      tpu.vector_store %arg7[%swap3A_173], %add3A_168 {strides = array<i32>} : memref<13312xi32, #tpu.memory_space<vmem>>, vector<16xi32>,
      %mul3A_175 = arith.constant 16 : i32
      %mul3A_176 = arith.muli %scan3A_146, %mul3A_175 : i32
      %get3A_177 = arith.constant 4 : i32
      %get3A_178 = arith.index_cast %get3A_177 : i32 to index
      %get3A_179 = arith.index_cast %mul3A_176 : i32 to index
      %get3A_180 = tpu.vector_load %arg6[%get3A_178, %get3A_179] {strides = array<i32>} : memref<26x512xi32, #tpu.memory_space<vmem>>, vector<16xi32>,
      %add3A_181 = arith.constant 400000 : i32
      %add3A_182 = vector.broadcast %add3A_181 : i32 to vector<16xi32>
      %add3A_183 = arith.addi %get3A_180, %add3A_182 : vector<16xi32>
      %mul3A_184 = arith.constant 16 : i32
      %mul3A_185 = arith.muli %scan3A_146, %mul3A_184 : i32
      %add3A_186 = arith.constant 2048 : i32
      %add3A_187 = arith.addi %add3A_186, %mul3A_185 : i32
      %swap3A_188 = arith.index_cast %add3A_187 : i32 to index
      %swap3A_189 = tpu.vector_load %arg7[%swap3A_188] {strides = array<i32>} : memref<13312xi32, #tpu.memory_space<vmem>>, vector<16xi32>,
      tpu.vector_store %arg7[%swap3A_188], %add3A_183 {strides = array<i32>} : memref<13312xi32, #tpu.memory_space<vmem>>, vector<16xi32>,
    }
    %scan3A_18 = arith.constant 32 : i32
    %dma_start3A_19 = arith.constant 1024 : i32
    %dma_start3A_20 = tpu.memref_slice %arg8[%dma_start3A_19] : memref<13312xf32, #tpu.memory_space<vmem>> -> memref<1536xf32, #tpu.memory_space<vmem>>
    %dma_start3A_21 = arith.constant 1024 : i32
    %dma_start3A_22 = tpu.memref_slice %arg7[%dma_start3A_21] : memref<13312xi32, #tpu.memory_space<vmem>> -> memref<1536xi32, #tpu.memory_space<vmem>>
    %dma_start3A_23 = arith.constant 0 : i32
    %dma_start3A_24 = tpu.memref_slice %arg3[%dma_start3A_23] : memref<2600960xf32, #tpu.memory_space<hbm>> -> memref<2600960xf32, #tpu.memory_space<hbm>>
    tpu.enqueue_indirect_dma source(%dma_start3A_24 : memref<2600960xf32, #tpu.memory_space<hbm>>) target(%dma_start3A_20 : memref<1536xf32, #tpu.memory_space<vmem>>) offsets(%dma_start3A_22 : memref<1536xi32, #tpu.memory_space<vmem>>) semaphore(%arg11 : memref<!tpu.dma_semaphore, #tpu.memory_space<semaphore_mem>>)
    %scan3A_25 = arith.constant 0 : i32
    %scan3A_26 = arith.constant 0 : i32
    %scan3A_27 = arith.constant 32 : i32
    %scan3A_28 = arith.addi %scan3A_26, %scan3A_27 : i32
    %scan3A_29 = arith.constant 1 : i32
    scf.for %scan3A_146 = %scan3A_26 to %scan3A_28 step %scan3A_29  : i32 {
      %mul3A_147 = arith.constant 16 : i32
      %mul3A_148 = arith.muli %scan3A_146, %mul3A_147 : i32
      %get3A = arith.constant 5 : i32
      %get3A_149 = arith.index_cast %get3A : i32 to index
      %get3A_150 = arith.index_cast %mul3A_148 : i32 to index
      %get3A_151 = tpu.vector_load %arg6[%get3A_149, %get3A_150] {strides = array<i32>} : memref<26x512xi32, #tpu.memory_space<vmem>>, vector<16xi32>,
      %add3A_152 = arith.constant 500000 : i32
      %add3A_153 = vector.broadcast %add3A_152 : i32 to vector<16xi32>
      %add3A_154 = arith.addi %get3A_151, %add3A_153 : vector<16xi32>
      %mul3A_155 = arith.constant 16 : i32
      %mul3A_156 = arith.muli %scan3A_146, %mul3A_155 : i32
      %add3A_157 = arith.constant 2560 : i32
      %add3A_158 = arith.addi %add3A_157, %mul3A_156 : i32
      %swap3A = arith.index_cast %add3A_158 : i32 to index
      %swap3A_159 = tpu.vector_load %arg7[%swap3A] {strides = array<i32>} : memref<13312xi32, #tpu.memory_space<vmem>>, vector<16xi32>,
      tpu.vector_store %arg7[%swap3A], %add3A_154 {strides = array<i32>} : memref<13312xi32, #tpu.memory_space<vmem>>, vector<16xi32>,
      %mul3A_160 = arith.constant 16 : i32
      %mul3A_161 = arith.muli %scan3A_146, %mul3A_160 : i32
      %get3A_162 = arith.constant 6 : i32
      %get3A_163 = arith.index_cast %get3A_162 : i32 to index
      %get3A_164 = arith.index_cast %mul3A_161 : i32 to index
      %get3A_165 = tpu.vector_load %arg6[%get3A_163, %get3A_164] {strides = array<i32>} : memref<26x512xi32, #tpu.memory_space<vmem>>, vector<16xi32>,
      %add3A_166 = arith.constant 600000 : i32
      %add3A_167 = vector.broadcast %add3A_166 : i32 to vector<16xi32>
      %add3A_168 = arith.addi %get3A_165, %add3A_167 : vector<16xi32>
      %mul3A_169 = arith.constant 16 : i32
      %mul3A_170 = arith.muli %scan3A_146, %mul3A_169 : i32
      %add3A_171 = arith.constant 3072 : i32
      %add3A_172 = arith.addi %add3A_171, %mul3A_170 : i32
      %swap3A_173 = arith.index_cast %add3A_172 : i32 to index
      %swap3A_174 = tpu.vector_load %arg7[%swap3A_173] {strides = array<i32>} : memref<13312xi32, #tpu.memory_space<vmem>>, vector<16xi32>,
      tpu.vector_store %arg7[%swap3A_173], %add3A_168 {strides = array<i32>} : memref<13312xi32, #tpu.memory_space<vmem>>, vector<16xi32>,
      %mul3A_175 = arith.constant 16 : i32
      %mul3A_176 = arith.muli %scan3A_146, %mul3A_175 : i32
      %get3A_177 = arith.constant 7 : i32
      %get3A_178 = arith.index_cast %get3A_177 : i32 to index
      %get3A_179 = arith.index_cast %mul3A_176 : i32 to index
      %get3A_180 = tpu.vector_load %arg6[%get3A_178, %get3A_179] {strides = array<i32>} : memref<26x512xi32, #tpu.memory_space<vmem>>, vector<16xi32>,
      %add3A_181 = arith.constant 700000 : i32
      %add3A_182 = vector.broadcast %add3A_181 : i32 to vector<16xi32>
      %add3A_183 = arith.addi %get3A_180, %add3A_182 : vector<16xi32>
      %mul3A_184 = arith.constant 16 : i32
      %mul3A_185 = arith.muli %scan3A_146, %mul3A_184 : i32
      %add3A_186 = arith.constant 3584 : i32
      %add3A_187 = arith.addi %add3A_186, %mul3A_185 : i32
      %swap3A_188 = arith.index_cast %add3A_187 : i32 to index
      %swap3A_189 = tpu.vector_load %arg7[%swap3A_188] {strides = array<i32>} : memref<13312xi32, #tpu.memory_space<vmem>>, vector<16xi32>,
      tpu.vector_store %arg7[%swap3A_188], %add3A_183 {strides = array<i32>} : memref<13312xi32, #tpu.memory_space<vmem>>, vector<16xi32>,
      %mul3A_190 = arith.constant 16 : i32
      %mul3A_191 = arith.muli %scan3A_146, %mul3A_190 : i32
      %get3A_192 = arith.constant 8 : i32
      %get3A_193 = arith.index_cast %get3A_192 : i32 to index
      %get3A_194 = arith.index_cast %mul3A_191 : i32 to index
      %get3A_195 = tpu.vector_load %arg6[%get3A_193, %get3A_194] {strides = array<i32>} : memref<26x512xi32, #tpu.memory_space<vmem>>, vector<16xi32>,
      %add3A_196 = arith.constant 800000 : i32
      %add3A_197 = vector.broadcast %add3A_196 : i32 to vector<16xi32>
      %add3A_198 = arith.addi %get3A_195, %add3A_197 : vector<16xi32>
      %mul3A_199 = arith.constant 16 : i32
      %mul3A_200 = arith.muli %scan3A_146, %mul3A_199 : i32
      %add3A_201 = arith.constant 4096 : i32
      %add3A_202 = arith.addi %add3A_201, %mul3A_200 : i32
      %swap3A_203 = arith.index_cast %add3A_202 : i32 to index
      %swap3A_204 = tpu.vector_load %arg7[%swap3A_203] {strides = array<i32>} : memref<13312xi32, #tpu.memory_space<vmem>>, vector<16xi32>,
      tpu.vector_store %arg7[%swap3A_203], %add3A_198 {strides = array<i32>} : memref<13312xi32, #tpu.memory_space<vmem>>, vector<16xi32>,
    }
    %scan3A_30 = arith.constant 32 : i32
    %dma_start3A_31 = arith.constant 2560 : i32
    %dma_start3A_32 = tpu.memref_slice %arg8[%dma_start3A_31] : memref<13312xf32, #tpu.memory_space<vmem>> -> memref<2048xf32, #tpu.memory_space<vmem>>
    %dma_start3A_33 = arith.constant 2560 : i32
    %dma_start3A_34 = tpu.memref_slice %arg7[%dma_start3A_33] : memref<13312xi32, #tpu.memory_space<vmem>> -> memref<2048xi32, #tpu.memory_space<vmem>>
    %dma_start3A_35 = arith.constant 0 : i32
    %dma_start3A_36 = tpu.memref_slice %arg3[%dma_start3A_35] : memref<2600960xf32, #tpu.memory_space<hbm>> -> memref<2600960xf32, #tpu.memory_space<hbm>>
    tpu.enqueue_indirect_dma source(%dma_start3A_36 : memref<2600960xf32, #tpu.memory_space<hbm>>) target(%dma_start3A_32 : memref<2048xf32, #tpu.memory_space<vmem>>) offsets(%dma_start3A_34 : memref<2048xi32, #tpu.memory_space<vmem>>) semaphore(%arg11 : memref<!tpu.dma_semaphore, #tpu.memory_space<semaphore_mem>>)
    %scan3A_37 = arith.constant 0 : i32
    %scan3A_38 = arith.constant 0 : i32
    %scan3A_39 = arith.constant 32 : i32
    %scan3A_40 = arith.addi %scan3A_38, %scan3A_39 : i32
    %scan3A_41 = arith.constant 1 : i32
    scf.for %scan3A_146 = %scan3A_38 to %scan3A_40 step %scan3A_41  : i32 {
      %mul3A_147 = arith.constant 16 : i32
      %mul3A_148 = arith.muli %scan3A_146, %mul3A_147 : i32
      %get3A = arith.constant 9 : i32
      %get3A_149 = arith.index_cast %get3A : i32 to index
      %get3A_150 = arith.index_cast %mul3A_148 : i32 to index
      %get3A_151 = tpu.vector_load %arg6[%get3A_149, %get3A_150] {strides = array<i32>} : memref<26x512xi32, #tpu.memory_space<vmem>>, vector<16xi32>,
      %add3A_152 = arith.constant 900000 : i32
      %add3A_153 = vector.broadcast %add3A_152 : i32 to vector<16xi32>
      %add3A_154 = arith.addi %get3A_151, %add3A_153 : vector<16xi32>
      %mul3A_155 = arith.constant 16 : i32
      %mul3A_156 = arith.muli %scan3A_146, %mul3A_155 : i32
      %add3A_157 = arith.constant 4608 : i32
      %add3A_158 = arith.addi %add3A_157, %mul3A_156 : i32
      %swap3A = arith.index_cast %add3A_158 : i32 to index
      %swap3A_159 = tpu.vector_load %arg7[%swap3A] {strides = array<i32>} : memref<13312xi32, #tpu.memory_space<vmem>>, vector<16xi32>,
      tpu.vector_store %arg7[%swap3A], %add3A_154 {strides = array<i32>} : memref<13312xi32, #tpu.memory_space<vmem>>, vector<16xi32>,
      %mul3A_160 = arith.constant 16 : i32
      %mul3A_161 = arith.muli %scan3A_146, %mul3A_160 : i32
      %get3A_162 = arith.constant 10 : i32
      %get3A_163 = arith.index_cast %get3A_162 : i32 to index
      %get3A_164 = arith.index_cast %mul3A_161 : i32 to index
      %get3A_165 = tpu.vector_load %arg6[%get3A_163, %get3A_164] {strides = array<i32>} : memref<26x512xi32, #tpu.memory_space<vmem>>, vector<16xi32>,
      %add3A_166 = arith.constant 1000000 : i32
      %add3A_167 = vector.broadcast %add3A_166 : i32 to vector<16xi32>
      %add3A_168 = arith.addi %get3A_165, %add3A_167 : vector<16xi32>
      %mul3A_169 = arith.constant 16 : i32
      %mul3A_170 = arith.muli %scan3A_146, %mul3A_169 : i32
      %add3A_171 = arith.constant 5120 : i32
      %add3A_172 = arith.addi %add3A_171, %mul3A_170 : i32
      %swap3A_173 = arith.index_cast %add3A_172 : i32 to index
      %swap3A_174 = tpu.vector_load %arg7[%swap3A_173] {strides = array<i32>} : memref<13312xi32, #tpu.memory_space<vmem>>, vector<16xi32>,
      tpu.vector_store %arg7[%swap3A_173], %add3A_168 {strides = array<i32>} : memref<13312xi32, #tpu.memory_space<vmem>>, vector<16xi32>,
      %mul3A_175 = arith.constant 16 : i32
      %mul3A_176 = arith.muli %scan3A_146, %mul3A_175 : i32
      %get3A_177 = arith.constant 11 : i32
      %get3A_178 = arith.index_cast %get3A_177 : i32 to index
      %get3A_179 = arith.index_cast %mul3A_176 : i32 to index
      %get3A_180 = tpu.vector_load %arg6[%get3A_178, %get3A_179] {strides = array<i32>} : memref<26x512xi32, #tpu.memory_space<vmem>>, vector<16xi32>,
      %add3A_181 = arith.constant 1100000 : i32
      %add3A_182 = vector.broadcast %add3A_181 : i32 to vector<16xi32>
      %add3A_183 = arith.addi %get3A_180, %add3A_182 : vector<16xi32>
      %mul3A_184 = arith.constant 16 : i32
      %mul3A_185 = arith.muli %scan3A_146, %mul3A_184 : i32
      %add3A_186 = arith.constant 5632 : i32
      %add3A_187 = arith.addi %add3A_186, %mul3A_185 : i32
      %swap3A_188 = arith.index_cast %add3A_187 : i32 to index
      %swap3A_189 = tpu.vector_load %arg7[%swap3A_188] {strides = array<i32>} : memref<13312xi32, #tpu.memory_space<vmem>>, vector<16xi32>,
      tpu.vector_store %arg7[%swap3A_188], %add3A_183 {strides = array<i32>} : memref<13312xi32, #tpu.memory_space<vmem>>, vector<16xi32>,
      %mul3A_190 = arith.constant 16 : i32
      %mul3A_191 = arith.muli %scan3A_146, %mul3A_190 : i32
      %get3A_192 = arith.constant 12 : i32
      %get3A_193 = arith.index_cast %get3A_192 : i32 to index
      %get3A_194 = arith.index_cast %mul3A_191 : i32 to index
      %get3A_195 = tpu.vector_load %arg6[%get3A_193, %get3A_194] {strides = array<i32>} : memref<26x512xi32, #tpu.memory_space<vmem>>, vector<16xi32>,
      %add3A_196 = arith.constant 1200000 : i32
      %add3A_197 = vector.broadcast %add3A_196 : i32 to vector<16xi32>
      %add3A_198 = arith.addi %get3A_195, %add3A_197 : vector<16xi32>
      %mul3A_199 = arith.constant 16 : i32
      %mul3A_200 = arith.muli %scan3A_146, %mul3A_199 : i32
      %add3A_201 = arith.constant 6144 : i32
      %add3A_202 = arith.addi %add3A_201, %mul3A_200 : i32
      %swap3A_203 = arith.index_cast %add3A_202 : i32 to index
      %swap3A_204 = tpu.vector_load %arg7[%swap3A_203] {strides = array<i32>} : memref<13312xi32, #tpu.memory_space<vmem>>, vector<16xi32>,
      tpu.vector_store %arg7[%swap3A_203], %add3A_198 {strides = array<i32>} : memref<13312xi32, #tpu.memory_space<vmem>>, vector<16xi32>,
      %mul3A_205 = arith.constant 16 : i32
      %mul3A_206 = arith.muli %scan3A_146, %mul3A_205 : i32
      %get3A_207 = arith.constant 13 : i32
      %get3A_208 = arith.index_cast %get3A_207 : i32 to index
      %get3A_209 = arith.index_cast %mul3A_206 : i32 to index
      %get3A_210 = tpu.vector_load %arg6[%get3A_208, %get3A_209] {strides = array<i32>} : memref<26x512xi32, #tpu.memory_space<vmem>>, vector<16xi32>,
      %add3A_211 = arith.constant 1300000 : i32
      %add3A_212 = vector.broadcast %add3A_211 : i32 to vector<16xi32>
      %add3A_213 = arith.addi %get3A_210, %add3A_212 : vector<16xi32>
      %mul3A_214 = arith.constant 16 : i32
      %mul3A_215 = arith.muli %scan3A_146, %mul3A_214 : i32
      %add3A_216 = arith.constant 6656 : i32
      %add3A_217 = arith.addi %add3A_216, %mul3A_215 : i32
      %swap3A_218 = arith.index_cast %add3A_217 : i32 to index
      %swap3A_219 = tpu.vector_load %arg7[%swap3A_218] {strides = array<i32>} : memref<13312xi32, #tpu.memory_space<vmem>>, vector<16xi32>,
      tpu.vector_store %arg7[%swap3A_218], %add3A_213 {strides = array<i32>} : memref<13312xi32, #tpu.memory_space<vmem>>, vector<16xi32>,
    }
    %scan3A_42 = arith.constant 32 : i32
    %dma_start3A_43 = arith.constant 4608 : i32
    %dma_start3A_44 = tpu.memref_slice %arg8[%dma_start3A_43] : memref<13312xf32, #tpu.memory_space<vmem>> -> memref<2560xf32, #tpu.memory_space<vmem>>
    %dma_start3A_45 = arith.constant 4608 : i32
    %dma_start3A_46 = tpu.memref_slice %arg7[%dma_start3A_45] : memref<13312xi32, #tpu.memory_space<vmem>> -> memref<2560xi32, #tpu.memory_space<vmem>>
    %dma_start3A_47 = arith.constant 0 : i32
    %dma_start3A_48 = tpu.memref_slice %arg3[%dma_start3A_47] : memref<2600960xf32, #tpu.memory_space<hbm>> -> memref<2600960xf32, #tpu.memory_space<hbm>>
    tpu.enqueue_indirect_dma source(%dma_start3A_48 : memref<2600960xf32, #tpu.memory_space<hbm>>) target(%dma_start3A_44 : memref<2560xf32, #tpu.memory_space<vmem>>) offsets(%dma_start3A_46 : memref<2560xi32, #tpu.memory_space<vmem>>) semaphore(%arg11 : memref<!tpu.dma_semaphore, #tpu.memory_space<semaphore_mem>>)
    %scan3A_49 = arith.constant 0 : i32
    %scan3A_50 = arith.constant 0 : i32
    %scan3A_51 = arith.constant 32 : i32
    %scan3A_52 = arith.addi %scan3A_50, %scan3A_51 : i32
    %scan3A_53 = arith.constant 1 : i32
    scf.for %scan3A_146 = %scan3A_50 to %scan3A_52 step %scan3A_53  : i32 {
      %mul3A_147 = arith.constant 16 : i32
      %mul3A_148 = arith.muli %scan3A_146, %mul3A_147 : i32
      %get3A = arith.constant 14 : i32
      %get3A_149 = arith.index_cast %get3A : i32 to index
      %get3A_150 = arith.index_cast %mul3A_148 : i32 to index
      %get3A_151 = tpu.vector_load %arg6[%get3A_149, %get3A_150] {strides = array<i32>} : memref<26x512xi32, #tpu.memory_space<vmem>>, vector<16xi32>,
      %add3A_152 = arith.constant 1400000 : i32
      %add3A_153 = vector.broadcast %add3A_152 : i32 to vector<16xi32>
      %add3A_154 = arith.addi %get3A_151, %add3A_153 : vector<16xi32>
      %mul3A_155 = arith.constant 16 : i32
      %mul3A_156 = arith.muli %scan3A_146, %mul3A_155 : i32
      %add3A_157 = arith.constant 7168 : i32
      %add3A_158 = arith.addi %add3A_157, %mul3A_156 : i32
      %swap3A = arith.index_cast %add3A_158 : i32 to index
      %swap3A_159 = tpu.vector_load %arg7[%swap3A] {strides = array<i32>} : memref<13312xi32, #tpu.memory_space<vmem>>, vector<16xi32>,
      tpu.vector_store %arg7[%swap3A], %add3A_154 {strides = array<i32>} : memref<13312xi32, #tpu.memory_space<vmem>>, vector<16xi32>,
      %mul3A_160 = arith.constant 16 : i32
      %mul3A_161 = arith.muli %scan3A_146, %mul3A_160 : i32
      %get3A_162 = arith.constant 15 : i32
      %get3A_163 = arith.index_cast %get3A_162 : i32 to index
      %get3A_164 = arith.index_cast %mul3A_161 : i32 to index
      %get3A_165 = tpu.vector_load %arg6[%get3A_163, %get3A_164] {strides = array<i32>} : memref<26x512xi32, #tpu.memory_space<vmem>>, vector<16xi32>,
      %add3A_166 = arith.constant 1500000 : i32
      %add3A_167 = vector.broadcast %add3A_166 : i32 to vector<16xi32>
      %add3A_168 = arith.addi %get3A_165, %add3A_167 : vector<16xi32>
      %mul3A_169 = arith.constant 16 : i32
      %mul3A_170 = arith.muli %scan3A_146, %mul3A_169 : i32
      %add3A_171 = arith.constant 7680 : i32
      %add3A_172 = arith.addi %add3A_171, %mul3A_170 : i32
      %swap3A_173 = arith.index_cast %add3A_172 : i32 to index
      %swap3A_174 = tpu.vector_load %arg7[%swap3A_173] {strides = array<i32>} : memref<13312xi32, #tpu.memory_space<vmem>>, vector<16xi32>,
      tpu.vector_store %arg7[%swap3A_173], %add3A_168 {strides = array<i32>} : memref<13312xi32, #tpu.memory_space<vmem>>, vector<16xi32>,
      %mul3A_175 = arith.constant 16 : i32
      %mul3A_176 = arith.muli %scan3A_146, %mul3A_175 : i32
      %get3A_177 = arith.constant 16 : i32
      %get3A_178 = arith.index_cast %get3A_177 : i32 to index
      %get3A_179 = arith.index_cast %mul3A_176 : i32 to index
      %get3A_180 = tpu.vector_load %arg6[%get3A_178, %get3A_179] {strides = array<i32>} : memref<26x512xi32, #tpu.memory_space<vmem>>, vector<16xi32>,
      %add3A_181 = arith.constant 1600000 : i32
      %add3A_182 = vector.broadcast %add3A_181 : i32 to vector<16xi32>
      %add3A_183 = arith.addi %get3A_180, %add3A_182 : vector<16xi32>
      %mul3A_184 = arith.constant 16 : i32
      %mul3A_185 = arith.muli %scan3A_146, %mul3A_184 : i32
      %add3A_186 = arith.constant 8192 : i32
      %add3A_187 = arith.addi %add3A_186, %mul3A_185 : i32
      %swap3A_188 = arith.index_cast %add3A_187 : i32 to index
      %swap3A_189 = tpu.vector_load %arg7[%swap3A_188] {strides = array<i32>} : memref<13312xi32, #tpu.memory_space<vmem>>, vector<16xi32>,
      tpu.vector_store %arg7[%swap3A_188], %add3A_183 {strides = array<i32>} : memref<13312xi32, #tpu.memory_space<vmem>>, vector<16xi32>,
      %mul3A_190 = arith.constant 16 : i32
      %mul3A_191 = arith.muli %scan3A_146, %mul3A_190 : i32
      %get3A_192 = arith.constant 17 : i32
      %get3A_193 = arith.index_cast %get3A_192 : i32 to index
      %get3A_194 = arith.index_cast %mul3A_191 : i32 to index
      %get3A_195 = tpu.vector_load %arg6[%get3A_193, %get3A_194] {strides = array<i32>} : memref<26x512xi32, #tpu.memory_space<vmem>>, vector<16xi32>,
      %add3A_196 = arith.constant 1700000 : i32
      %add3A_197 = vector.broadcast %add3A_196 : i32 to vector<16xi32>
      %add3A_198 = arith.addi %get3A_195, %add3A_197 : vector<16xi32>
      %mul3A_199 = arith.constant 16 : i32
      %mul3A_200 = arith.muli %scan3A_146, %mul3A_199 : i32
      %add3A_201 = arith.constant 8704 : i32
      %add3A_202 = arith.addi %add3A_201, %mul3A_200 : i32
      %swap3A_203 = arith.index_cast %add3A_202 : i32 to index
      %swap3A_204 = tpu.vector_load %arg7[%swap3A_203] {strides = array<i32>} : memref<13312xi32, #tpu.memory_space<vmem>>, vector<16xi32>,
      tpu.vector_store %arg7[%swap3A_203], %add3A_198 {strides = array<i32>} : memref<13312xi32, #tpu.memory_space<vmem>>, vector<16xi32>,
      %mul3A_205 = arith.constant 16 : i32
      %mul3A_206 = arith.muli %scan3A_146, %mul3A_205 : i32
      %get3A_207 = arith.constant 18 : i32
      %get3A_208 = arith.index_cast %get3A_207 : i32 to index
      %get3A_209 = arith.index_cast %mul3A_206 : i32 to index
      %get3A_210 = tpu.vector_load %arg6[%get3A_208, %get3A_209] {strides = array<i32>} : memref<26x512xi32, #tpu.memory_space<vmem>>, vector<16xi32>,
      %add3A_211 = arith.constant 1800000 : i32
      %add3A_212 = vector.broadcast %add3A_211 : i32 to vector<16xi32>
      %add3A_213 = arith.addi %get3A_210, %add3A_212 : vector<16xi32>
      %mul3A_214 = arith.constant 16 : i32
      %mul3A_215 = arith.muli %scan3A_146, %mul3A_214 : i32
      %add3A_216 = arith.constant 9216 : i32
      %add3A_217 = arith.addi %add3A_216, %mul3A_215 : i32
      %swap3A_218 = arith.index_cast %add3A_217 : i32 to index
      %swap3A_219 = tpu.vector_load %arg7[%swap3A_218] {strides = array<i32>} : memref<13312xi32, #tpu.memory_space<vmem>>, vector<16xi32>,
      tpu.vector_store %arg7[%swap3A_218], %add3A_213 {strides = array<i32>} : memref<13312xi32, #tpu.memory_space<vmem>>, vector<16xi32>,
      %mul3A_220 = arith.constant 16 : i32
      %mul3A_221 = arith.muli %scan3A_146, %mul3A_220 : i32
      %get3A_222 = arith.constant 19 : i32
      %get3A_223 = arith.index_cast %get3A_222 : i32 to index
      %get3A_224 = arith.index_cast %mul3A_221 : i32 to index
      %get3A_225 = tpu.vector_load %arg6[%get3A_223, %get3A_224] {strides = array<i32>} : memref<26x512xi32, #tpu.memory_space<vmem>>, vector<16xi32>,
      %add3A_226 = arith.constant 1900000 : i32
      %add3A_227 = vector.broadcast %add3A_226 : i32 to vector<16xi32>
      %add3A_228 = arith.addi %get3A_225, %add3A_227 : vector<16xi32>
      %mul3A_229 = arith.constant 16 : i32
      %mul3A_230 = arith.muli %scan3A_146, %mul3A_229 : i32
      %add3A_231 = arith.constant 9728 : i32
      %add3A_232 = arith.addi %add3A_231, %mul3A_230 : i32
      %swap3A_233 = arith.index_cast %add3A_232 : i32 to index
      %swap3A_234 = tpu.vector_load %arg7[%swap3A_233] {strides = array<i32>} : memref<13312xi32, #tpu.memory_space<vmem>>, vector<16xi32>,
      tpu.vector_store %arg7[%swap3A_233], %add3A_228 {strides = array<i32>} : memref<13312xi32, #tpu.memory_space<vmem>>, vector<16xi32>,
    }
    %scan3A_54 = arith.constant 32 : i32
    %dma_start3A_55 = arith.constant 7168 : i32
    %dma_start3A_56 = tpu.memref_slice %arg8[%dma_start3A_55] : memref<13312xf32, #tpu.memory_space<vmem>> -> memref<3072xf32, #tpu.memory_space<vmem>>
    %dma_start3A_57 = arith.constant 7168 : i32
    %dma_start3A_58 = tpu.memref_slice %arg7[%dma_start3A_57] : memref<13312xi32, #tpu.memory_space<vmem>> -> memref<3072xi32, #tpu.memory_space<vmem>>
    %dma_start3A_59 = arith.constant 0 : i32
    %dma_start3A_60 = tpu.memref_slice %arg3[%dma_start3A_59] : memref<2600960xf32, #tpu.memory_space<hbm>> -> memref<2600960xf32, #tpu.memory_space<hbm>>
    tpu.enqueue_indirect_dma source(%dma_start3A_60 : memref<2600960xf32, #tpu.memory_space<hbm>>) target(%dma_start3A_56 : memref<3072xf32, #tpu.memory_space<vmem>>) offsets(%dma_start3A_58 : memref<3072xi32, #tpu.memory_space<vmem>>) semaphore(%arg11 : memref<!tpu.dma_semaphore, #tpu.memory_space<semaphore_mem>>)
    %scan3A_61 = arith.constant 0 : i32
    %scan3A_62 = arith.constant 0 : i32
    %scan3A_63 = arith.constant 32 : i32
    %scan3A_64 = arith.addi %scan3A_62, %scan3A_63 : i32
    %scan3A_65 = arith.constant 1 : i32
    scf.for %scan3A_146 = %scan3A_62 to %scan3A_64 step %scan3A_65  : i32 {
      %mul3A_147 = arith.constant 16 : i32
      %mul3A_148 = arith.muli %scan3A_146, %mul3A_147 : i32
      %get3A = arith.constant 20 : i32
      %get3A_149 = arith.index_cast %get3A : i32 to index
      %get3A_150 = arith.index_cast %mul3A_148 : i32 to index
      %get3A_151 = tpu.vector_load %arg6[%get3A_149, %get3A_150] {strides = array<i32>} : memref<26x512xi32, #tpu.memory_space<vmem>>, vector<16xi32>,
      %add3A_152 = arith.constant 2000000 : i32
      %add3A_153 = vector.broadcast %add3A_152 : i32 to vector<16xi32>
      %add3A_154 = arith.addi %get3A_151, %add3A_153 : vector<16xi32>
      %mul3A_155 = arith.constant 16 : i32
      %mul3A_156 = arith.muli %scan3A_146, %mul3A_155 : i32
      %add3A_157 = arith.constant 10240 : i32
      %add3A_158 = arith.addi %add3A_157, %mul3A_156 : i32
      %swap3A = arith.index_cast %add3A_158 : i32 to index
      %swap3A_159 = tpu.vector_load %arg7[%swap3A] {strides = array<i32>} : memref<13312xi32, #tpu.memory_space<vmem>>, vector<16xi32>,
      tpu.vector_store %arg7[%swap3A], %add3A_154 {strides = array<i32>} : memref<13312xi32, #tpu.memory_space<vmem>>, vector<16xi32>,
      %mul3A_160 = arith.constant 16 : i32
      %mul3A_161 = arith.muli %scan3A_146, %mul3A_160 : i32
      %get3A_162 = arith.constant 21 : i32
      %get3A_163 = arith.index_cast %get3A_162 : i32 to index
      %get3A_164 = arith.index_cast %mul3A_161 : i32 to index
      %get3A_165 = tpu.vector_load %arg6[%get3A_163, %get3A_164] {strides = array<i32>} : memref<26x512xi32, #tpu.memory_space<vmem>>, vector<16xi32>,
      %add3A_166 = arith.constant 2100000 : i32
      %add3A_167 = vector.broadcast %add3A_166 : i32 to vector<16xi32>
      %add3A_168 = arith.addi %get3A_165, %add3A_167 : vector<16xi32>
      %mul3A_169 = arith.constant 16 : i32
      %mul3A_170 = arith.muli %scan3A_146, %mul3A_169 : i32
      %add3A_171 = arith.constant 10752 : i32
      %add3A_172 = arith.addi %add3A_171, %mul3A_170 : i32
      %swap3A_173 = arith.index_cast %add3A_172 : i32 to index
      %swap3A_174 = tpu.vector_load %arg7[%swap3A_173] {strides = array<i32>} : memref<13312xi32, #tpu.memory_space<vmem>>, vector<16xi32>,
      tpu.vector_store %arg7[%swap3A_173], %add3A_168 {strides = array<i32>} : memref<13312xi32, #tpu.memory_space<vmem>>, vector<16xi32>,
      %mul3A_175 = arith.constant 16 : i32
      %mul3A_176 = arith.muli %scan3A_146, %mul3A_175 : i32
      %get3A_177 = arith.constant 22 : i32
      %get3A_178 = arith.index_cast %get3A_177 : i32 to index
      %get3A_179 = arith.index_cast %mul3A_176 : i32 to index
      %get3A_180 = tpu.vector_load %arg6[%get3A_178, %get3A_179] {strides = array<i32>} : memref<26x512xi32, #tpu.memory_space<vmem>>, vector<16xi32>,
      %add3A_181 = arith.constant 2200000 : i32
      %add3A_182 = vector.broadcast %add3A_181 : i32 to vector<16xi32>
      %add3A_183 = arith.addi %get3A_180, %add3A_182 : vector<16xi32>
      %mul3A_184 = arith.constant 16 : i32
      %mul3A_185 = arith.muli %scan3A_146, %mul3A_184 : i32
      %add3A_186 = arith.constant 11264 : i32
      %add3A_187 = arith.addi %add3A_186, %mul3A_185 : i32
      %swap3A_188 = arith.index_cast %add3A_187 : i32 to index
      %swap3A_189 = tpu.vector_load %arg7[%swap3A_188] {strides = array<i32>} : memref<13312xi32, #tpu.memory_space<vmem>>, vector<16xi32>,
      tpu.vector_store %arg7[%swap3A_188], %add3A_183 {strides = array<i32>} : memref<13312xi32, #tpu.memory_space<vmem>>, vector<16xi32>,
      %mul3A_190 = arith.constant 16 : i32
      %mul3A_191 = arith.muli %scan3A_146, %mul3A_190 : i32
      %get3A_192 = arith.constant 23 : i32
      %get3A_193 = arith.index_cast %get3A_192 : i32 to index
      %get3A_194 = arith.index_cast %mul3A_191 : i32 to index
      %get3A_195 = tpu.vector_load %arg6[%get3A_193, %get3A_194] {strides = array<i32>} : memref<26x512xi32, #tpu.memory_space<vmem>>, vector<16xi32>,
      %add3A_196 = arith.constant 2300000 : i32
      %add3A_197 = vector.broadcast %add3A_196 : i32 to vector<16xi32>
      %add3A_198 = arith.addi %get3A_195, %add3A_197 : vector<16xi32>
      %mul3A_199 = arith.constant 16 : i32
      %mul3A_200 = arith.muli %scan3A_146, %mul3A_199 : i32
      %add3A_201 = arith.constant 11776 : i32
      %add3A_202 = arith.addi %add3A_201, %mul3A_200 : i32
      %swap3A_203 = arith.index_cast %add3A_202 : i32 to index
      %swap3A_204 = tpu.vector_load %arg7[%swap3A_203] {strides = array<i32>} : memref<13312xi32, #tpu.memory_space<vmem>>, vector<16xi32>,
      tpu.vector_store %arg7[%swap3A_203], %add3A_198 {strides = array<i32>} : memref<13312xi32, #tpu.memory_space<vmem>>, vector<16xi32>,
      %mul3A_205 = arith.constant 16 : i32
      %mul3A_206 = arith.muli %scan3A_146, %mul3A_205 : i32
      %get3A_207 = arith.constant 24 : i32
      %get3A_208 = arith.index_cast %get3A_207 : i32 to index
      %get3A_209 = arith.index_cast %mul3A_206 : i32 to index
      %get3A_210 = tpu.vector_load %arg6[%get3A_208, %get3A_209] {strides = array<i32>} : memref<26x512xi32, #tpu.memory_space<vmem>>, vector<16xi32>,
      %add3A_211 = arith.constant 2400000 : i32
      %add3A_212 = vector.broadcast %add3A_211 : i32 to vector<16xi32>
      %add3A_213 = arith.addi %get3A_210, %add3A_212 : vector<16xi32>
      %mul3A_214 = arith.constant 16 : i32
      %mul3A_215 = arith.muli %scan3A_146, %mul3A_214 : i32
      %add3A_216 = arith.constant 12288 : i32
      %add3A_217 = arith.addi %add3A_216, %mul3A_215 : i32
      %swap3A_218 = arith.index_cast %add3A_217 : i32 to index
      %swap3A_219 = tpu.vector_load %arg7[%swap3A_218] {strides = array<i32>} : memref<13312xi32, #tpu.memory_space<vmem>>, vector<16xi32>,
      tpu.vector_store %arg7[%swap3A_218], %add3A_213 {strides = array<i32>} : memref<13312xi32, #tpu.memory_space<vmem>>, vector<16xi32>,
      %mul3A_220 = arith.constant 16 : i32
      %mul3A_221 = arith.muli %scan3A_146, %mul3A_220 : i32
      %get3A_222 = arith.constant 25 : i32
      %get3A_223 = arith.index_cast %get3A_222 : i32 to index
      %get3A_224 = arith.index_cast %mul3A_221 : i32 to index
      %get3A_225 = tpu.vector_load %arg6[%get3A_223, %get3A_224] {strides = array<i32>} : memref<26x512xi32, #tpu.memory_space<vmem>>, vector<16xi32>,
      %add3A_226 = arith.constant 2500000 : i32
      %add3A_227 = vector.broadcast %add3A_226 : i32 to vector<16xi32>
      %add3A_228 = arith.addi %get3A_225, %add3A_227 : vector<16xi32>
      %mul3A_229 = arith.constant 16 : i32
      %mul3A_230 = arith.muli %scan3A_146, %mul3A_229 : i32
      %add3A_231 = arith.constant 12800 : i32
      %add3A_232 = arith.addi %add3A_231, %mul3A_230 : i32
      %swap3A_233 = arith.index_cast %add3A_232 : i32 to index
      %swap3A_234 = tpu.vector_load %arg7[%swap3A_233] {strides = array<i32>} : memref<13312xi32, #tpu.memory_space<vmem>>, vector<16xi32>,
      tpu.vector_store %arg7[%swap3A_233], %add3A_228 {strides = array<i32>} : memref<13312xi32, #tpu.memory_space<vmem>>, vector<16xi32>,
    }
    %scan3A_66 = arith.constant 32 : i32
    %dma_start3A_67 = arith.constant 10240 : i32
    %dma_start3A_68 = tpu.memref_slice %arg8[%dma_start3A_67] : memref<13312xf32, #tpu.memory_space<vmem>> -> memref<3072xf32, #tpu.memory_space<vmem>>
    %dma_start3A_69 = arith.constant 10240 : i32
    %dma_start3A_70 = tpu.memref_slice %arg7[%dma_start3A_69] : memref<13312xi32, #tpu.memory_space<vmem>> -> memref<3072xi32, #tpu.memory_space<vmem>>
    %dma_start3A_71 = arith.constant 0 : i32
    %dma_start3A_72 = tpu.memref_slice %arg3[%dma_start3A_71] : memref<2600960xf32, #tpu.memory_space<hbm>> -> memref<2600960xf32, #tpu.memory_space<hbm>>
    tpu.enqueue_indirect_dma source(%dma_start3A_72 : memref<2600960xf32, #tpu.memory_space<hbm>>) target(%dma_start3A_68 : memref<3072xf32, #tpu.memory_space<vmem>>) offsets(%dma_start3A_70 : memref<3072xi32, #tpu.memory_space<vmem>>) semaphore(%arg11 : memref<!tpu.dma_semaphore, #tpu.memory_space<semaphore_mem>>)
    %dma_wait3A = arith.constant 0 : i32
    %dma_wait3A_73 = tpu.memref_slice %arg8[%dma_wait3A] : memref<13312xf32, #tpu.memory_space<vmem>> -> memref<1024xf32, #tpu.memory_space<vmem>>
    %dma_wait3A_74 = arith.constant 0 : i32
    %dma_wait3A_75 = tpu.memref_slice %arg7[%dma_wait3A_74] : memref<13312xi32, #tpu.memory_space<vmem>> -> memref<1024xi32, #tpu.memory_space<vmem>>
    %dma_wait3A_76 = arith.constant 0 : i32
    %dma_wait3A_77 = tpu.memref_slice %arg3[%dma_wait3A_76] : memref<2600960xf32, #tpu.memory_space<hbm>> -> memref<2600960xf32, #tpu.memory_space<hbm>>
    tpu.wait_indirect_dma semaphore(%arg11 : memref<!tpu.dma_semaphore, #tpu.memory_space<semaphore_mem>>) src(%dma_wait3A_77 : memref<2600960xf32, #tpu.memory_space<hbm>>) dst(%dma_wait3A_73 : memref<1024xf32, #tpu.memory_space<vmem>>)
    %scan3A_78 = arith.constant 0 : i32
    %scan3A_79 = arith.constant 0 : i32
    %scan3A_80 = arith.constant 32 : i32
    %scan3A_81 = arith.addi %scan3A_79, %scan3A_80 : i32
    %scan3A_82 = arith.constant 1 : i32
    scf.for %scan3A_146 = %scan3A_79 to %scan3A_81 step %scan3A_82  : i32 {
      %get3A = arith.constant 0 : index
      %get3A_147 = tpu.vector_load %arg9[%get3A] {strides = array<i32>} : memref<16xf32, #tpu.memory_space<vmem>>, vector<16xf32>,
      %mul3A_148 = arith.constant 16 : i32
      %mul3A_149 = arith.muli %scan3A_146, %mul3A_148 : i32
      %add3A_150 = arith.constant 0 : i32
      %add3A_151 = arith.addi %add3A_150, %mul3A_149 : i32
      %get3A_152 = arith.index_cast %add3A_151 : i32 to index
      %get3A_153 = tpu.vector_load %arg8[%get3A_152] {strides = array<i32>} : memref<13312xf32, #tpu.memory_space<vmem>>, vector<16xf32>,
      %add3A_154 = arith.addf %get3A_147, %get3A_153 : vector<16xf32>
      %mul3A_155 = arith.constant 16 : i32
      %mul3A_156 = arith.muli %scan3A_146, %mul3A_155 : i32
      %add3A_157 = arith.constant 512 : i32
      %add3A_158 = arith.addi %add3A_157, %mul3A_156 : i32
      %get3A_159 = arith.index_cast %add3A_158 : i32 to index
      %get3A_160 = tpu.vector_load %arg8[%get3A_159] {strides = array<i32>} : memref<13312xf32, #tpu.memory_space<vmem>>, vector<16xf32>,
      %add3A_161 = arith.addf %add3A_154, %get3A_160 : vector<16xf32>
      %mul3A_162 = arith.constant 16 : i32
      %mul3A_163 = arith.muli %scan3A_146, %mul3A_162 : i32
      %swap3A = arith.index_cast %mul3A_163 : i32 to index
      %swap3A_164 = tpu.vector_load %arg10[%swap3A] {strides = array<i32>} : memref<512xf32, #tpu.memory_space<vmem>>, vector<16xf32>,
      tpu.vector_store %arg10[%swap3A], %add3A_161 {strides = array<i32>} : memref<512xf32, #tpu.memory_space<vmem>>, vector<16xf32>,
    }
    %scan3A_83 = arith.constant 32 : i32
    %dma_wait3A_84 = arith.constant 1024 : i32
    %dma_wait3A_85 = tpu.memref_slice %arg8[%dma_wait3A_84] : memref<13312xf32, #tpu.memory_space<vmem>> -> memref<1536xf32, #tpu.memory_space<vmem>>
    %dma_wait3A_86 = arith.constant 1024 : i32
    %dma_wait3A_87 = tpu.memref_slice %arg7[%dma_wait3A_86] : memref<13312xi32, #tpu.memory_space<vmem>> -> memref<1536xi32, #tpu.memory_space<vmem>>
    %dma_wait3A_88 = arith.constant 0 : i32
    %dma_wait3A_89 = tpu.memref_slice %arg3[%dma_wait3A_88] : memref<2600960xf32, #tpu.memory_space<hbm>> -> memref<2600960xf32, #tpu.memory_space<hbm>>
    tpu.wait_indirect_dma semaphore(%arg11 : memref<!tpu.dma_semaphore, #tpu.memory_space<semaphore_mem>>) src(%dma_wait3A_89 : memref<2600960xf32, #tpu.memory_space<hbm>>) dst(%dma_wait3A_85 : memref<1536xf32, #tpu.memory_space<vmem>>)
    %scan3A_90 = arith.constant 0 : i32
    %scan3A_91 = arith.constant 0 : i32
    %scan3A_92 = arith.constant 32 : i32
    %scan3A_93 = arith.addi %scan3A_91, %scan3A_92 : i32
    %scan3A_94 = arith.constant 1 : i32
    scf.for %scan3A_146 = %scan3A_91 to %scan3A_93 step %scan3A_94  : i32 {
      %mul3A_147 = arith.constant 16 : i32
      %mul3A_148 = arith.muli %scan3A_146, %mul3A_147 : i32
      %get3A = arith.index_cast %mul3A_148 : i32 to index
      %get3A_149 = tpu.vector_load %arg10[%get3A] {strides = array<i32>} : memref<512xf32, #tpu.memory_space<vmem>>, vector<16xf32>,
      %mul3A_150 = arith.constant 16 : i32
      %mul3A_151 = arith.muli %scan3A_146, %mul3A_150 : i32
      %add3A_152 = arith.constant 1024 : i32
      %add3A_153 = arith.addi %add3A_152, %mul3A_151 : i32
      %get3A_154 = arith.index_cast %add3A_153 : i32 to index
      %get3A_155 = tpu.vector_load %arg8[%get3A_154] {strides = array<i32>} : memref<13312xf32, #tpu.memory_space<vmem>>, vector<16xf32>,
      %add3A_156 = arith.addf %get3A_149, %get3A_155 : vector<16xf32>
      %mul3A_157 = arith.constant 16 : i32
      %mul3A_158 = arith.muli %scan3A_146, %mul3A_157 : i32
      %add3A_159 = arith.constant 1536 : i32
      %add3A_160 = arith.addi %add3A_159, %mul3A_158 : i32
      %get3A_161 = arith.index_cast %add3A_160 : i32 to index
      %get3A_162 = tpu.vector_load %arg8[%get3A_161] {strides = array<i32>} : memref<13312xf32, #tpu.memory_space<vmem>>, vector<16xf32>,
      %add3A_163 = arith.addf %add3A_156, %get3A_162 : vector<16xf32>
      %mul3A_164 = arith.constant 16 : i32
      %mul3A_165 = arith.muli %scan3A_146, %mul3A_164 : i32
      %add3A_166 = arith.constant 2048 : i32
      %add3A_167 = arith.addi %add3A_166, %mul3A_165 : i32
      %get3A_168 = arith.index_cast %add3A_167 : i32 to index
      %get3A_169 = tpu.vector_load %arg8[%get3A_168] {strides = array<i32>} : memref<13312xf32, #tpu.memory_space<vmem>>, vector<16xf32>,
      %add3A_170 = arith.addf %add3A_163, %get3A_169 : vector<16xf32>
      %mul3A_171 = arith.constant 16 : i32
      %mul3A_172 = arith.muli %scan3A_146, %mul3A_171 : i32
      %swap3A = arith.index_cast %mul3A_172 : i32 to index
      %swap3A_173 = tpu.vector_load %arg10[%swap3A] {strides = array<i32>} : memref<512xf32, #tpu.memory_space<vmem>>, vector<16xf32>,
      tpu.vector_store %arg10[%swap3A], %add3A_170 {strides = array<i32>} : memref<512xf32, #tpu.memory_space<vmem>>, vector<16xf32>,
    }
    %scan3A_95 = arith.constant 32 : i32
    %dma_wait3A_96 = arith.constant 2560 : i32
    %dma_wait3A_97 = tpu.memref_slice %arg8[%dma_wait3A_96] : memref<13312xf32, #tpu.memory_space<vmem>> -> memref<2048xf32, #tpu.memory_space<vmem>>
    %dma_wait3A_98 = arith.constant 2560 : i32
    %dma_wait3A_99 = tpu.memref_slice %arg7[%dma_wait3A_98] : memref<13312xi32, #tpu.memory_space<vmem>> -> memref<2048xi32, #tpu.memory_space<vmem>>
    %dma_wait3A_100 = arith.constant 0 : i32
    %dma_wait3A_101 = tpu.memref_slice %arg3[%dma_wait3A_100] : memref<2600960xf32, #tpu.memory_space<hbm>> -> memref<2600960xf32, #tpu.memory_space<hbm>>
    tpu.wait_indirect_dma semaphore(%arg11 : memref<!tpu.dma_semaphore, #tpu.memory_space<semaphore_mem>>) src(%dma_wait3A_101 : memref<2600960xf32, #tpu.memory_space<hbm>>) dst(%dma_wait3A_97 : memref<2048xf32, #tpu.memory_space<vmem>>)
    %scan3A_102 = arith.constant 0 : i32
    %scan3A_103 = arith.constant 0 : i32
    %scan3A_104 = arith.constant 32 : i32
    %scan3A_105 = arith.addi %scan3A_103, %scan3A_104 : i32
    %scan3A_106 = arith.constant 1 : i32
    scf.for %scan3A_146 = %scan3A_103 to %scan3A_105 step %scan3A_106  : i32 {
      %mul3A_147 = arith.constant 16 : i32
      %mul3A_148 = arith.muli %scan3A_146, %mul3A_147 : i32
      %get3A = arith.index_cast %mul3A_148 : i32 to index
      %get3A_149 = tpu.vector_load %arg10[%get3A] {strides = array<i32>} : memref<512xf32, #tpu.memory_space<vmem>>, vector<16xf32>,
      %mul3A_150 = arith.constant 16 : i32
      %mul3A_151 = arith.muli %scan3A_146, %mul3A_150 : i32
      %add3A_152 = arith.constant 2560 : i32
      %add3A_153 = arith.addi %add3A_152, %mul3A_151 : i32
      %get3A_154 = arith.index_cast %add3A_153 : i32 to index
      %get3A_155 = tpu.vector_load %arg8[%get3A_154] {strides = array<i32>} : memref<13312xf32, #tpu.memory_space<vmem>>, vector<16xf32>,
      %add3A_156 = arith.addf %get3A_149, %get3A_155 : vector<16xf32>
      %mul3A_157 = arith.constant 16 : i32
      %mul3A_158 = arith.muli %scan3A_146, %mul3A_157 : i32
      %add3A_159 = arith.constant 3072 : i32
      %add3A_160 = arith.addi %add3A_159, %mul3A_158 : i32
      %get3A_161 = arith.index_cast %add3A_160 : i32 to index
      %get3A_162 = tpu.vector_load %arg8[%get3A_161] {strides = array<i32>} : memref<13312xf32, #tpu.memory_space<vmem>>, vector<16xf32>,
      %add3A_163 = arith.addf %add3A_156, %get3A_162 : vector<16xf32>
      %mul3A_164 = arith.constant 16 : i32
      %mul3A_165 = arith.muli %scan3A_146, %mul3A_164 : i32
      %add3A_166 = arith.constant 3584 : i32
      %add3A_167 = arith.addi %add3A_166, %mul3A_165 : i32
      %get3A_168 = arith.index_cast %add3A_167 : i32 to index
      %get3A_169 = tpu.vector_load %arg8[%get3A_168] {strides = array<i32>} : memref<13312xf32, #tpu.memory_space<vmem>>, vector<16xf32>,
      %add3A_170 = arith.addf %add3A_163, %get3A_169 : vector<16xf32>
      %mul3A_171 = arith.constant 16 : i32
      %mul3A_172 = arith.muli %scan3A_146, %mul3A_171 : i32
      %add3A_173 = arith.constant 4096 : i32
      %add3A_174 = arith.addi %add3A_173, %mul3A_172 : i32
      %get3A_175 = arith.index_cast %add3A_174 : i32 to index
      %get3A_176 = tpu.vector_load %arg8[%get3A_175] {strides = array<i32>} : memref<13312xf32, #tpu.memory_space<vmem>>, vector<16xf32>,
      %add3A_177 = arith.addf %add3A_170, %get3A_176 : vector<16xf32>
      %mul3A_178 = arith.constant 16 : i32
      %mul3A_179 = arith.muli %scan3A_146, %mul3A_178 : i32
      %swap3A = arith.index_cast %mul3A_179 : i32 to index
      %swap3A_180 = tpu.vector_load %arg10[%swap3A] {strides = array<i32>} : memref<512xf32, #tpu.memory_space<vmem>>, vector<16xf32>,
      tpu.vector_store %arg10[%swap3A], %add3A_177 {strides = array<i32>} : memref<512xf32, #tpu.memory_space<vmem>>, vector<16xf32>,
    }
    %scan3A_107 = arith.constant 32 : i32
    %dma_wait3A_108 = arith.constant 4608 : i32
    %dma_wait3A_109 = tpu.memref_slice %arg8[%dma_wait3A_108] : memref<13312xf32, #tpu.memory_space<vmem>> -> memref<2560xf32, #tpu.memory_space<vmem>>
    %dma_wait3A_110 = arith.constant 4608 : i32
    %dma_wait3A_111 = tpu.memref_slice %arg7[%dma_wait3A_110] : memref<13312xi32, #tpu.memory_space<vmem>> -> memref<2560xi32, #tpu.memory_space<vmem>>
    %dma_wait3A_112 = arith.constant 0 : i32
    %dma_wait3A_113 = tpu.memref_slice %arg3[%dma_wait3A_112] : memref<2600960xf32, #tpu.memory_space<hbm>> -> memref<2600960xf32, #tpu.memory_space<hbm>>
    tpu.wait_indirect_dma semaphore(%arg11 : memref<!tpu.dma_semaphore, #tpu.memory_space<semaphore_mem>>) src(%dma_wait3A_113 : memref<2600960xf32, #tpu.memory_space<hbm>>) dst(%dma_wait3A_109 : memref<2560xf32, #tpu.memory_space<vmem>>)
    %scan3A_114 = arith.constant 0 : i32
    %scan3A_115 = arith.constant 0 : i32
    %scan3A_116 = arith.constant 32 : i32
    %scan3A_117 = arith.addi %scan3A_115, %scan3A_116 : i32
    %scan3A_118 = arith.constant 1 : i32
    scf.for %scan3A_146 = %scan3A_115 to %scan3A_117 step %scan3A_118  : i32 {
      %mul3A_147 = arith.constant 16 : i32
      %mul3A_148 = arith.muli %scan3A_146, %mul3A_147 : i32
      %get3A = arith.index_cast %mul3A_148 : i32 to index
      %get3A_149 = tpu.vector_load %arg10[%get3A] {strides = array<i32>} : memref<512xf32, #tpu.memory_space<vmem>>, vector<16xf32>,
      %mul3A_150 = arith.constant 16 : i32
      %mul3A_151 = arith.muli %scan3A_146, %mul3A_150 : i32
      %add3A_152 = arith.constant 4608 : i32
      %add3A_153 = arith.addi %add3A_152, %mul3A_151 : i32
      %get3A_154 = arith.index_cast %add3A_153 : i32 to index
      %get3A_155 = tpu.vector_load %arg8[%get3A_154] {strides = array<i32>} : memref<13312xf32, #tpu.memory_space<vmem>>, vector<16xf32>,
      %add3A_156 = arith.addf %get3A_149, %get3A_155 : vector<16xf32>
      %mul3A_157 = arith.constant 16 : i32
      %mul3A_158 = arith.muli %scan3A_146, %mul3A_157 : i32
      %add3A_159 = arith.constant 5120 : i32
      %add3A_160 = arith.addi %add3A_159, %mul3A_158 : i32
      %get3A_161 = arith.index_cast %add3A_160 : i32 to index
      %get3A_162 = tpu.vector_load %arg8[%get3A_161] {strides = array<i32>} : memref<13312xf32, #tpu.memory_space<vmem>>, vector<16xf32>,
      %add3A_163 = arith.addf %add3A_156, %get3A_162 : vector<16xf32>
      %mul3A_164 = arith.constant 16 : i32
      %mul3A_165 = arith.muli %scan3A_146, %mul3A_164 : i32
      %add3A_166 = arith.constant 5632 : i32
      %add3A_167 = arith.addi %add3A_166, %mul3A_165 : i32
      %get3A_168 = arith.index_cast %add3A_167 : i32 to index
      %get3A_169 = tpu.vector_load %arg8[%get3A_168] {strides = array<i32>} : memref<13312xf32, #tpu.memory_space<vmem>>, vector<16xf32>,
      %add3A_170 = arith.addf %add3A_163, %get3A_169 : vector<16xf32>
      %mul3A_171 = arith.constant 16 : i32
      %mul3A_172 = arith.muli %scan3A_146, %mul3A_171 : i32
      %add3A_173 = arith.constant 6144 : i32
      %add3A_174 = arith.addi %add3A_173, %mul3A_172 : i32
      %get3A_175 = arith.index_cast %add3A_174 : i32 to index
      %get3A_176 = tpu.vector_load %arg8[%get3A_175] {strides = array<i32>} : memref<13312xf32, #tpu.memory_space<vmem>>, vector<16xf32>,
      %add3A_177 = arith.addf %add3A_170, %get3A_176 : vector<16xf32>
      %mul3A_178 = arith.constant 16 : i32
      %mul3A_179 = arith.muli %scan3A_146, %mul3A_178 : i32
      %add3A_180 = arith.constant 6656 : i32
      %add3A_181 = arith.addi %add3A_180, %mul3A_179 : i32
      %get3A_182 = arith.index_cast %add3A_181 : i32 to index
      %get3A_183 = tpu.vector_load %arg8[%get3A_182] {strides = array<i32>} : memref<13312xf32, #tpu.memory_space<vmem>>, vector<16xf32>,
      %add3A_184 = arith.addf %add3A_177, %get3A_183 : vector<16xf32>
      %mul3A_185 = arith.constant 16 : i32
      %mul3A_186 = arith.muli %scan3A_146, %mul3A_185 : i32
      %swap3A = arith.index_cast %mul3A_186 : i32 to index
      %swap3A_187 = tpu.vector_load %arg10[%swap3A] {strides = array<i32>} : memref<512xf32, #tpu.memory_space<vmem>>, vector<16xf32>,
      tpu.vector_store %arg10[%swap3A], %add3A_184 {strides = array<i32>} : memref<512xf32, #tpu.memory_space<vmem>>, vector<16xf32>,
    }
    %scan3A_119 = arith.constant 32 : i32
    %dma_wait3A_120 = arith.constant 7168 : i32
    %dma_wait3A_121 = tpu.memref_slice %arg8[%dma_wait3A_120] : memref<13312xf32, #tpu.memory_space<vmem>> -> memref<3072xf32, #tpu.memory_space<vmem>>
    %dma_wait3A_122 = arith.constant 7168 : i32
    %dma_wait3A_123 = tpu.memref_slice %arg7[%dma_wait3A_122] : memref<13312xi32, #tpu.memory_space<vmem>> -> memref<3072xi32, #tpu.memory_space<vmem>>
    %dma_wait3A_124 = arith.constant 0 : i32
    %dma_wait3A_125 = tpu.memref_slice %arg3[%dma_wait3A_124] : memref<2600960xf32, #tpu.memory_space<hbm>> -> memref<2600960xf32, #tpu.memory_space<hbm>>
    tpu.wait_indirect_dma semaphore(%arg11 : memref<!tpu.dma_semaphore, #tpu.memory_space<semaphore_mem>>) src(%dma_wait3A_125 : memref<2600960xf32, #tpu.memory_space<hbm>>) dst(%dma_wait3A_121 : memref<3072xf32, #tpu.memory_space<vmem>>)
    %scan3A_126 = arith.constant 0 : i32
    %scan3A_127 = arith.constant 0 : i32
    %scan3A_128 = arith.constant 32 : i32
    %scan3A_129 = arith.addi %scan3A_127, %scan3A_128 : i32
    %scan3A_130 = arith.constant 1 : i32
    scf.for %scan3A_146 = %scan3A_127 to %scan3A_129 step %scan3A_130  : i32 {
      %mul3A_147 = arith.constant 16 : i32
      %mul3A_148 = arith.muli %scan3A_146, %mul3A_147 : i32
      %get3A = arith.index_cast %mul3A_148 : i32 to index
      %get3A_149 = tpu.vector_load %arg10[%get3A] {strides = array<i32>} : memref<512xf32, #tpu.memory_space<vmem>>, vector<16xf32>,
      %mul3A_150 = arith.constant 16 : i32
      %mul3A_151 = arith.muli %scan3A_146, %mul3A_150 : i32
      %add3A_152 = arith.constant 7168 : i32
      %add3A_153 = arith.addi %add3A_152, %mul3A_151 : i32
      %get3A_154 = arith.index_cast %add3A_153 : i32 to index
      %get3A_155 = tpu.vector_load %arg8[%get3A_154] {strides = array<i32>} : memref<13312xf32, #tpu.memory_space<vmem>>, vector<16xf32>,
      %add3A_156 = arith.addf %get3A_149, %get3A_155 : vector<16xf32>
      %mul3A_157 = arith.constant 16 : i32
      %mul3A_158 = arith.muli %scan3A_146, %mul3A_157 : i32
      %add3A_159 = arith.constant 7680 : i32
      %add3A_160 = arith.addi %add3A_159, %mul3A_158 : i32
      %get3A_161 = arith.index_cast %add3A_160 : i32 to index
      %get3A_162 = tpu.vector_load %arg8[%get3A_161] {strides = array<i32>} : memref<13312xf32, #tpu.memory_space<vmem>>, vector<16xf32>,
      %add3A_163 = arith.addf %add3A_156, %get3A_162 : vector<16xf32>
      %mul3A_164 = arith.constant 16 : i32
      %mul3A_165 = arith.muli %scan3A_146, %mul3A_164 : i32
      %add3A_166 = arith.constant 8192 : i32
      %add3A_167 = arith.addi %add3A_166, %mul3A_165 : i32
      %get3A_168 = arith.index_cast %add3A_167 : i32 to index
      %get3A_169 = tpu.vector_load %arg8[%get3A_168] {strides = array<i32>} : memref<13312xf32, #tpu.memory_space<vmem>>, vector<16xf32>,
      %add3A_170 = arith.addf %add3A_163, %get3A_169 : vector<16xf32>
      %mul3A_171 = arith.constant 16 : i32
      %mul3A_172 = arith.muli %scan3A_146, %mul3A_171 : i32
      %add3A_173 = arith.constant 8704 : i32
      %add3A_174 = arith.addi %add3A_173, %mul3A_172 : i32
      %get3A_175 = arith.index_cast %add3A_174 : i32 to index
      %get3A_176 = tpu.vector_load %arg8[%get3A_175] {strides = array<i32>} : memref<13312xf32, #tpu.memory_space<vmem>>, vector<16xf32>,
      %add3A_177 = arith.addf %add3A_170, %get3A_176 : vector<16xf32>
      %mul3A_178 = arith.constant 16 : i32
      %mul3A_179 = arith.muli %scan3A_146, %mul3A_178 : i32
      %add3A_180 = arith.constant 9216 : i32
      %add3A_181 = arith.addi %add3A_180, %mul3A_179 : i32
      %get3A_182 = arith.index_cast %add3A_181 : i32 to index
      %get3A_183 = tpu.vector_load %arg8[%get3A_182] {strides = array<i32>} : memref<13312xf32, #tpu.memory_space<vmem>>, vector<16xf32>,
      %add3A_184 = arith.addf %add3A_177, %get3A_183 : vector<16xf32>
      %mul3A_185 = arith.constant 16 : i32
      %mul3A_186 = arith.muli %scan3A_146, %mul3A_185 : i32
      %add3A_187 = arith.constant 9728 : i32
      %add3A_188 = arith.addi %add3A_187, %mul3A_186 : i32
      %get3A_189 = arith.index_cast %add3A_188 : i32 to index
      %get3A_190 = tpu.vector_load %arg8[%get3A_189] {strides = array<i32>} : memref<13312xf32, #tpu.memory_space<vmem>>, vector<16xf32>,
      %add3A_191 = arith.addf %add3A_184, %get3A_190 : vector<16xf32>
      %mul3A_192 = arith.constant 16 : i32
      %mul3A_193 = arith.muli %scan3A_146, %mul3A_192 : i32
      %swap3A = arith.index_cast %mul3A_193 : i32 to index
      %swap3A_194 = tpu.vector_load %arg10[%swap3A] {strides = array<i32>} : memref<512xf32, #tpu.memory_space<vmem>>, vector<16xf32>,
      tpu.vector_store %arg10[%swap3A], %add3A_191 {strides = array<i32>} : memref<512xf32, #tpu.memory_space<vmem>>, vector<16xf32>,
    }
    %scan3A_131 = arith.constant 32 : i32
    %dma_wait3A_132 = arith.constant 10240 : i32
    %dma_wait3A_133 = tpu.memref_slice %arg8[%dma_wait3A_132] : memref<13312xf32, #tpu.memory_space<vmem>> -> memref<3072xf32, #tpu.memory_space<vmem>>
    %dma_wait3A_134 = arith.constant 10240 : i32
    %dma_wait3A_135 = tpu.memref_slice %arg7[%dma_wait3A_134] : memref<13312xi32, #tpu.memory_space<vmem>> -> memref<3072xi32, #tpu.memory_space<vmem>>
    %dma_wait3A_136 = arith.constant 0 : i32
    %dma_wait3A_137 = tpu.memref_slice %arg3[%dma_wait3A_136] : memref<2600960xf32, #tpu.memory_space<hbm>> -> memref<2600960xf32, #tpu.memory_space<hbm>>
    tpu.wait_indirect_dma semaphore(%arg11 : memref<!tpu.dma_semaphore, #tpu.memory_space<semaphore_mem>>) src(%dma_wait3A_137 : memref<2600960xf32, #tpu.memory_space<hbm>>) dst(%dma_wait3A_133 : memref<3072xf32, #tpu.memory_space<vmem>>)
    %scan3A_138 = arith.constant 0 : i32
    %scan3A_139 = arith.constant 0 : i32
    %scan3A_140 = arith.constant 32 : i32
    %scan3A_141 = arith.addi %scan3A_139, %scan3A_140 : i32
    %scan3A_142 = arith.constant 1 : i32
    scf.for %scan3A_146 = %scan3A_139 to %scan3A_141 step %scan3A_142  : i32 {
      %mul3A_147 = arith.constant 16 : i32
      %mul3A_148 = arith.muli %scan3A_146, %mul3A_147 : i32
      %get3A = arith.index_cast %mul3A_148 : i32 to index
      %get3A_149 = tpu.vector_load %arg10[%get3A] {strides = array<i32>} : memref<512xf32, #tpu.memory_space<vmem>>, vector<16xf32>,
      %mul3A_150 = arith.constant 16 : i32
      %mul3A_151 = arith.muli %scan3A_146, %mul3A_150 : i32
      %add3A_152 = arith.constant 10240 : i32
      %add3A_153 = arith.addi %add3A_152, %mul3A_151 : i32
      %get3A_154 = arith.index_cast %add3A_153 : i32 to index
      %get3A_155 = tpu.vector_load %arg8[%get3A_154] {strides = array<i32>} : memref<13312xf32, #tpu.memory_space<vmem>>, vector<16xf32>,
      %add3A_156 = arith.addf %get3A_149, %get3A_155 : vector<16xf32>
      %mul3A_157 = arith.constant 16 : i32
      %mul3A_158 = arith.muli %scan3A_146, %mul3A_157 : i32
      %add3A_159 = arith.constant 10752 : i32
      %add3A_160 = arith.addi %add3A_159, %mul3A_158 : i32
      %get3A_161 = arith.index_cast %add3A_160 : i32 to index
      %get3A_162 = tpu.vector_load %arg8[%get3A_161] {strides = array<i32>} : memref<13312xf32, #tpu.memory_space<vmem>>, vector<16xf32>,
      %add3A_163 = arith.addf %add3A_156, %get3A_162 : vector<16xf32>
      %mul3A_164 = arith.constant 16 : i32
      %mul3A_165 = arith.muli %scan3A_146, %mul3A_164 : i32
      %add3A_166 = arith.constant 11264 : i32
      %add3A_167 = arith.addi %add3A_166, %mul3A_165 : i32
      %get3A_168 = arith.index_cast %add3A_167 : i32 to index
      %get3A_169 = tpu.vector_load %arg8[%get3A_168] {strides = array<i32>} : memref<13312xf32, #tpu.memory_space<vmem>>, vector<16xf32>,
      %add3A_170 = arith.addf %add3A_163, %get3A_169 : vector<16xf32>
      %mul3A_171 = arith.constant 16 : i32
      %mul3A_172 = arith.muli %scan3A_146, %mul3A_171 : i32
      %add3A_173 = arith.constant 11776 : i32
      %add3A_174 = arith.addi %add3A_173, %mul3A_172 : i32
      %get3A_175 = arith.index_cast %add3A_174 : i32 to index
      %get3A_176 = tpu.vector_load %arg8[%get3A_175] {strides = array<i32>} : memref<13312xf32, #tpu.memory_space<vmem>>, vector<16xf32>,
      %add3A_177 = arith.addf %add3A_170, %get3A_176 : vector<16xf32>
      %mul3A_178 = arith.constant 16 : i32
      %mul3A_179 = arith.muli %scan3A_146, %mul3A_178 : i32
      %add3A_180 = arith.constant 12288 : i32
      %add3A_181 = arith.addi %add3A_180, %mul3A_179 : i32
      %get3A_182 = arith.index_cast %add3A_181 : i32 to index
      %get3A_183 = tpu.vector_load %arg8[%get3A_182] {strides = array<i32>} : memref<13312xf32, #tpu.memory_space<vmem>>, vector<16xf32>,
      %add3A_184 = arith.addf %add3A_177, %get3A_183 : vector<16xf32>
      %mul3A_185 = arith.constant 16 : i32
      %mul3A_186 = arith.muli %scan3A_146, %mul3A_185 : i32
      %add3A_187 = arith.constant 12800 : i32
      %add3A_188 = arith.addi %add3A_187, %mul3A_186 : i32
      %get3A_189 = arith.index_cast %add3A_188 : i32 to index
      %get3A_190 = tpu.vector_load %arg8[%get3A_189] {strides = array<i32>} : memref<13312xf32, #tpu.memory_space<vmem>>, vector<16xf32>,
      %add3A_191 = arith.addf %add3A_184, %get3A_190 : vector<16xf32>
      %neg3A = arith.constant 0.000000e+00 : f32
      %neg3A_192 = vector.broadcast %neg3A : f32 to vector<16xf32>
      %neg3A_193 = arith.subf %neg3A_192, %add3A_191 : vector<16xf32>
      %exp3A = math.exp %neg3A_193 : vector<16xf32>
      %add3A_194 = arith.constant 1.000000e+00 : f32
      %add3A_195 = vector.broadcast %add3A_194 : f32 to vector<16xf32>
      %add3A_196 = arith.addf %add3A_195, %exp3A : vector<16xf32>
      %div3A = arith.constant 1.000000e+00 : f32
      %div3A_197 = vector.broadcast %div3A : f32 to vector<16xf32>
      %div3A_198 = arith.divf %div3A_197, %add3A_196 : vector<16xf32>
      %mul3A_199 = arith.constant 16 : i32
      %mul3A_200 = arith.muli %scan3A_146, %mul3A_199 : i32
      %swap3A = arith.index_cast %mul3A_200 : i32 to index
      %swap3A_201 = tpu.vector_load %arg10[%swap3A] {strides = array<i32>} : memref<512xf32, #tpu.memory_space<vmem>>, vector<16xf32>,
      tpu.vector_store %arg10[%swap3A], %div3A_198 {strides = array<i32>} : memref<512xf32, #tpu.memory_space<vmem>>, vector<16xf32>,
    }
    %scan3A_143 = arith.constant 32 : i32
    %mul3A_144 = arith.constant 512 : i32
    %mul3A_145 = arith.muli %add3A, %mul3A_144 : i32
    "tpu.region"() ({
      %run_scoped3A = tpu.sem_alloc : memref<!tpu.dma_semaphore, #tpu.memory_space<semaphore_mem>>
      %dma_start3A_146 = tpu.memref_slice %arg5[%mul3A_145] : memref<16384xf32, #tpu.memory_space<hbm>> -> memref<512xf32, #tpu.memory_space<hbm>>
      %dma_start3A_147 = tpu.memref_slice %arg5[%mul3A_145] : memref<16384xf32, #tpu.memory_space<hbm>> -> memref<512xf32, #tpu.memory_space<hbm>>
      tpu.enqueue_dma source(%arg10 : memref<512xf32, #tpu.memory_space<vmem>>) target(%dma_start3A_147 : memref<512xf32, #tpu.memory_space<hbm>>) target_semaphore(%run_scoped3A : memref<!tpu.dma_semaphore, #tpu.memory_space<semaphore_mem>>)
      %dma_wait3A_148 = tpu.memref_slice %arg5[%mul3A_145] : memref<16384xf32, #tpu.memory_space<hbm>> -> memref<512xf32, #tpu.memory_space<hbm>>
      %dma_wait3A_149 = tpu.memref_slice %arg5[%mul3A_145] : memref<16384xf32, #tpu.memory_space<hbm>> -> memref<512xf32, #tpu.memory_space<hbm>>
      tpu.wait_dma2 semaphore(%run_scoped3A : memref<!tpu.dma_semaphore, #tpu.memory_space<semaphore_mem>>) src(%arg10 : memref<512xf32, #tpu.memory_space<vmem>>) dst(%dma_wait3A_149 : memref<512xf32, #tpu.memory_space<hbm>>)
      tpu.yield
    }) : () -> ()
    return
  }
}

</mosaic_0001>

<sc_bundles>
// kernel: kernel.3.cloned.1.call-start
scs
__scs_entry_jumppad:
0x0: {  	(pc) =	sbr.rel $0x88, $3  }
0x1: {  	(tag) =	ssettag $0x0;
	lr =	simm.s32 $0x1  }
0x2: {  	[smem:$0x3F9E] =	sst lr;
	_ =	strace $0xD0000000  }
0x3: {  	_ = 	snop  }
0x4: {  	_ = 	snop  }
0x5: {  	_ = 	snop  }
0x6: {  	_ = 	snop  }
0x7: {  	_ = 	snop  }
__scs_overlays_trampoline_lowered:
0x8: {  	[smem:$0x3FAD] =	sst s0  }
0x9: {  	[smem:$0x3FAE] =	sst s1  }
0xa: {  	[smem:$0x3FAF] =	sst s2  }
0xb: {  	[smem:$0x3FB0] =	sst s3  }
0xc: {  	[smem:$0x3FB1] =	sst s4  }
0xd: {  	[smem:$0x3FB2] =	sst s5  }
0xe: {  	[smem:$0x3FB3] =	sst s6  }
0xf: {  	[smem:$0x3FB4] =	sst s7  }
0x10: {  	[smem:$0x3FB5] =	sst s8  }
0x11: {  	[smem:$0x3FB6] =	sst s9;
	s0 =	simm.s32 @!p0 $0x0  }
0x12: {  	s1 =	sld [smem:$0x3F9C];
	s0 =	simm.s32 @p0 $0x1  }
0x13: {  	[smem:$0x3FB7] =	sst s0;
	s0 =	simm.s32 @!p1 $0x0  }
0x14: {  	s2 =	sld [smem:$0x3F9B];
	s0 =	simm.s32 @p1 $0x1  }
0x15: {  	[smem:$0x3FB8] =	sst s0;
	s0 =	simm.s32 @!p2 $0x0  }
0x16: {  	s3 =	sld [smem:$0x3FDB];
	s0 =	simm.s32 @p2 $0x1  }
0x17: {  	s4 =	simm.s32 $0x1BF5;
	[smem:$0x3FBA] =	sst s0  }
0x18: {  	s0 =	sld [smem:$0x3F9D];
	_ =	swait.ge [sflag:s4], $0x0  }
0x19: {  	s7 =	sld [smem:$0x3F9E]  }
0x1a: {  	s8 =	sadd.s32 $0xFFFFE003, lr  }
0x1b: {  	s9 =	sadd.s32 $0xFFFFFEF7, lr;
	s5 =	simm.s32 $0xFFFFFFFF;
	p2 =	slt.u32 s8, $0xFFFFF086  }
0x1c: {  	p1 =	slt.u32 s9, $0xF7A;
	s5 =	simm.s32 @!p2 $0x0  }
0x1d: {  	s5 =	simm.s32 @p1 $0x1;
	p0 =	seq.s32 s7, s2  }
0x1e: {  	s7 =	smul.u32 @!p0 $0xF7A, s2;
	p2 =	seq.s32 @!p0 s5, $0x0  }
0x1f: {  	s9 =	smul.u32 $0xF7A, s1;
	s8 =	simm.s32 @!p0 $0x1BF5;
	p2 =	por !p2, p0  }
0x20: {  	[sflag:s8] =	ssyncset.s32 @!p0 $0xFFFFF086;
	s6 =	sadd.s32 @!p0 s3, s7;
	s7 =	simm.s32 @!p0 $0x108  }
0x21: {  	s3 =	sadd.s32 s3, s9;
	s6 =	sadd.s32 @!p0 $0x88, s6;
	s7 =	simm.s32 @p2 $0x1082  }
0x22: {  	[simem:s7], [sflag:s8] =	dma.local @!p0 [hbm:s6], $0xF7A  }
0x23: {  	s9 =	sor.u32 $0xD0000000, s2;
	s6 =	simm.s32 $0x108;
	_ =	swait.ge @!p0 [sflag:s8], $0x0  }
0x24: {  	s3 =	sadd.s32 $0x88, s3;
	s6 =	simm.s32 @!p1 $0x1082;
	[sflag:s4] =	ssyncset.s32 $0xFFFFF086  }
0x25: {  	[simem:s6], [sflag:s4] =	dma.local [hbm:s3], $0xF7A  }
0x26: {  	[smem:$0x3F9E] =	sst s1;
	(tag) =	ssettag s2;
	_ =	strace s9  }
0x27: {  	s1 =	sld [smem:$0x3FAE]  }
0x28: {  	s2 =	sld [smem:$0x3FAF]  }
0x29: {  	s4 =	sld [smem:$0x3FB1]  }
0x2a: {  	p0 =	seq.s32 s5, $0x0;
	s5 =	sld [smem:$0x3FB2]  }
0x2b: {  	s6 =	sld [smem:$0x3FB3]  }
0x2c: {  	s7 =	sld [smem:$0x3FB4]  }
0x2d: {  	s3 =	simm.s32 $0x108;
	s8 =	sld [smem:$0x3FB5]  }
0x2e: {  	s3 =	simm.s32 @!p0 $0x1082;
	s9 =	sld [smem:$0x3FB6]  }
0x2f: {  	lr =	sadd.s32 s0, s3;
	s0 =	sld [smem:$0x3FAD]  }
0x30: {  	s3 =	sld [smem:$0x3FB0]  }
0x31: {  	[smem:$0x3FB9] =	sst s10  }
0x32: {  	s10 =	sld [smem:$0x3FB7];
	_ =	sdelay $0x3  }
0x33: {  	p0 =	seq.s32 s10, $0x1;
	s10 =	sld [smem:$0x3FB9];
	_ =	sdelay $0x3  }
0x34: {  	[smem:$0x3FB9] =	sst s10  }
0x35: {  	s10 =	sld [smem:$0x3FB8];
	_ =	sdelay $0x3  }
0x36: {  	p1 =	seq.s32 s10, $0x1;
	s10 =	sld [smem:$0x3FB9];
	_ =	sdelay $0x3  }
0x37: {  	[smem:$0x3FB9] =	sst s10  }
0x38: {  	s10 =	sld [smem:$0x3FBA]  }
0x39: {  	_ = 	snop;
	(pc) =	sbr.ind lr, $3  }
0x3a: {  	_ = 	snop  }
0x3b: {  	_ = 	snop  }
0x3c: {  	p2 =	seq.s32 s10, $0x1;
	s10 =	sld [smem:$0x3FB9]  }
0x3d: {  	_ =	shalt  }
0x3e: {  	_ =	shalt  }
0x3f: {  	_ =	shalt  }
0x40: {  	_ =	shalt  }
0x41: {  	_ =	shalt  }
0x42: {  	_ =	shalt  }
0x43: {  	_ =	shalt  }
0x44: {  	_ =	shalt  }
0x45: {  	_ =	shalt  }
0x46: {  	_ =	shalt  }
0x47: {  	_ =	shalt  }
0x48: {  	_ =	shalt  }
0x49: {  	_ =	shalt  }
0x4a: {  	_ =	shalt  }
0x4b: {  	_ =	shalt  }
0x4c: {  	_ =	shalt  }
0x4d: {  	_ =	shalt  }
0x4e: {  	_ =	shalt  }
0x4f: {  	_ =	shalt  }
0x50: {  	_ =	shalt  }
0x51: {  	_ =	shalt  }
0x52: {  	_ =	shalt  }
0x53: {  	_ =	shalt  }
0x54: {  	_ =	shalt  }
0x55: {  	_ =	shalt  }
0x56: {  	_ =	shalt  }
0x57: {  	_ =	shalt  }
0x58: {  	_ =	shalt  }
0x59: {  	_ =	shalt  }
0x5a: {  	_ =	shalt  }
0x5b: {  	_ =	shalt  }
0x5c: {  	_ =	shalt  }
0x5d: {  	_ =	shalt  }
0x5e: {  	_ =	shalt  }
0x5f: {  	_ =	shalt  }
0x60: {  	_ =	shalt  }
0x61: {  	_ =	shalt  }
0x62: {  	_ =	shalt  }
0x63: {  	_ =	shalt  }
0x64: {  	_ =	shalt  }
0x65: {  	_ =	shalt  }
0x66: {  	_ =	shalt  }
0x67: {  	_ =	shalt  }
0x68: {  	_ =	shalt  }
0x69: {  	_ =	shalt  }
0x6a: {  	_ =	shalt  }
0x6b: {  	_ =	shalt  }
0x6c: {  	_ =	shalt  }
0x6d: {  	_ =	shalt  }
0x6e: {  	_ =	shalt  }
0x6f: {  	_ =	shalt  }
0x70: {  	_ =	shalt  }
0x71: {  	_ =	shalt  }
0x72: {  	_ =	shalt  }
0x73: {  	_ =	shalt  }
0x74: {  	_ =	shalt  }
0x75: {  	_ =	shalt  }
0x76: {  	_ =	shalt  }
0x77: {  	_ =	shalt  }
0x78: {  	_ =	shalt  }
0x79: {  	_ =	shalt  }
0x7a: {  	_ =	shalt  }
0x7b: {  	_ =	shalt  }
0x7c: {  	_ =	shalt  }
0x7d: {  	_ =	shalt  }
0x7e: {  	_ =	shalt  }
0x7f: {  	_ =	shalt  }
0x80: {  	_ =	shalt  }
0x81: {  	_ =	shalt  }
0x82: {  	_ =	shalt  }
0x83: {  	_ =	shalt  }
0x84: {  	_ =	shalt  }
0x85: {  	_ =	shalt  }
0x86: {  	_ =	shalt  }
0x87: {  	_ =	shalt  }
.Lfunc_end0:
.L_simem_size_0:
called_computation_lowered:
.L_overlay_start_0:
0x88: {  	s2 =	sld [smem:$0x3FD9]  }
0x89: {  	s3 =	sld [smem:$0x3FFE];
	_ =	sdelay $0x1  }
0x8a: {  	s1 =	srdreg.scid  }
0x8b: {  	s0 =	sand.u32 $0x1, s1  }
0x8c: {  	s17 =	sshll.u32 s0, $0xA;
	s2 =	sadd.s32 s3, s2  }
0x8d: {  	s2 =	sadd.s32 s2, s17  }
0x8e: {  	[smem:$0x3FC5] =	sst s2  }
0x8f: {  	_ = 	snop  }
0x90: {  	s2 =	sld [smem:$0x3FC9]  }
0x91: {  	s18 =	sld [smem:$0x3FD0];
	(tm) =	ssettm $0x1  }
0x92: {  	s4 =	sld [smem:$0x3FFB];
	_ =	sdelay $0x3  }
0x93: {  	_ =	strace s4  }
0x94: {  	s4 =	sld [smem:$0x3FFC];
	_ =	sdelay $0x3  }
0x95: {  	_ =	strace s4  }
0x96: {  	s4 =	sld [smem:$0x3FFD];
	_ =	sdelay $0x3  }
0x97: {  	_ =	strace s4  }
0x98: {  	_ =	strace $0x8FFFFFFF  }
0x99: {  	s19 =	sld [smem:$0x3FDB];
	_ =	sdelay $0x1  }
0x9a: {  	s5 =	simm.s32 $_scs_section_size  }
0x9b: {  	s6 =	simm.s32 $_size__tile_overlayer_lowered;
	s7 =	simm.s32 $_tile_overlayer_lowered  }
0x9c: {  	s22 =	simm.s32 $0x1BFF;
	s21 =	sshll.u32 s7, $0x1;
	s4 =	sadd.s32 s5, s19  }
0x9d: {  	s8 =	simm.s32 $0x0;
	s20 =	sshll.u32 s6, $0x1;
	s6 =	sadd.s32 s21, s4  }
0x9e: {  	[timem:s8], [sflag:s22] =	dma.local [hbm:s6], s20  }
0x9f: {  	_ =	swait.ge [sflag:s22], s20  }
0xa0: {  	s5 =	ssub.s32 $0x0, s20;
	[sflag:s22] =	ssyncset.done $0x0  }
0xa1: {  	[sflag:s22] =	ssyncadd.s32 s5;
	_ =	sdelay $0x1  }
0xa2: {  	s23 =	simm.s32 $0x1B8B  }
0xa3: {  	_ =	swait.ge [sflag:s23], $0x1  }
0xa4: {  	[sflag:s23] =	ssyncset.done $0x0  }
0xa5: {  	s25 =	simm.s32 $0x1B8E;
	s24 =	sld [smem:$0x3FFE];
	[sflag:s23] =	ssyncadd.s32 $0xFFFFFFFF  }
0xa6: {  	s26 =	simm.s32 $execute0_lowered;
	[smem:$0x3FD2] =	sst s25  }
0xa7: {  	s6 =	sshll.u32 s26, $0x1;
	_ =	strace $0x80000046;
	[dreg:$0x1] =	wrdreg $0xFFFFFFFF  }
0xa8: {  	s28 =	simm.s32 $_size_execute0_lowered;
	s4 =	sadd.s32 s4, s6;
	[dreg:$0x0] =	wrdreg $0x0  }
0xa9: {  	s6 =	sshll.u32 s28, $0x1;
	[dreg:$0x2] =	wrdreg s4  }
0xaa: {  	[dreg:$0x3] =	wrdreg s6  }
0xab: {  	[dreg:$0x4] =	wrdreg $0xC0  }
0xac: {  	_ =	task [dreg:s8], $0x5FFFF  }
0xad: {  	[dreg:$0x1] =	wrdreg $0xFFFFFFFF  }
0xae: {  	[dreg:$0x0] =	wrdreg $0x60  }
0xaf: {  	[dreg:$0x2] =	wrdreg s2  }
0xb0: {  	[dreg:$0x3] =	wrdreg s24  }
0xb1: {  	[dreg:$0x4] =	wrdreg s18  }
0xb2: {  	[dreg:$0x5] =	wrdreg $0x9  }
0xb3: {  	_ =	task.clear_ibuf [dreg:s8], $0x6FFFF;
	_ =	strace $0x90000046  }
0xb4: {  	s29 =	simm.s32 $0x9;
	_ =	strace $0x80000048  }
0xb5: {  	_ =	swait.ge [sflag:s29], $0x1  }
0xb6: {  	[sflag:s29] =	ssyncadd.s32 $0xFFFFFFFF  }
0xb7: {  	_ =	strace $0x90000048  }
0xb8: {  	_ =	sfence  }
0xb9: {  	s30 =	sld [smem:$0x0];
	_ =	sdelay $0x2  }
0xba: {  	s31 =	sshll.u32 s1, $0xD;
	s1 =	sshrl.u32 s1, $0x2  }
0xbb: {  	s3 =	sand.u32 $0x4000, s31;
	s1 =	sadd.s32 s1, s30  }
0xbc: {  	s0 =	sor.u32 s3, s0;
	s1 =	sshll.u32 s1, $0x11  }
0xbd: {  	s0 =	sor.u32 s1, s0  }
0xbe: {  	s0 =	sadd.s32 $0x8F2B, s0  }
0xbf: {  	[sflag:s0] =	ssyncadd.remote.s32 $0x1  }
0xc0: {  	_ =	sfence.sel $0xFFFF  }
0xc1: {  	[dreg:$0x0] =	wrdreg $0xFFFFFFFF;
	(pc) =	sbr.abs _section_cstart, $3  }
0xc2: {  	[dreg:$0x1] =	wrdreg $0xFFFFFFFF  }
0xc3: {  	_ =	task.clear_ibuf [dreg:s8], $0x2FFFF;
	_ =	strace $0x9FFFFFFF  }
0xc4: {  	(tm) =	ssettm $0x7FFFFFFF  }
0xc5: {  	_ =	shalt  }
tec
execute0_lowered:
.L_overlay_start_1:
0x0: {  	(tag) =	ssettag $0x1  }
0x1: {  	s0 =	rddreg [dreg:$0x0]  }
0x2: {  	s1 =	rddreg [dreg:$0x1]  }
0x3: {  	s6 =	rddreg [dreg:$0x2]  }
0x4: {  	s2 =	simm.s32 $0x0;
	s3 =	srdreg.scid;
	s4 =	stileid.u32  }
0x5: {  	s10 =	simm.s32 $0x2;
	s13 =	simm.s32 $0x4000;
	s16 =	simm.s32 $0x4400  }
0x6: {  	s17 =	simm.s32 $0x7800;
	s18 =	simm.s32 $0x800;
	s19 =	simm.s32 $0x4A00  }
0x7: {  	s20 =	simm.s32 $0x7E00;
	s21 =	simm.s32 $0xA00;
	s22 =	simm.s32 $0x5200  }
0x8: {  	s23 =	simm.s32 $0x8600;
	s24 =	simm.s32 $0xC00;
	s28 =	simm.s32 $0x6800  }
0x9: {  	s29 =	simm.s32 $0x9C00;
	s30 =	simm.s32 $0x1;
	s31 =	simm.s32 $0xA880  }
0xa: {  	[smem:$0x7FF] =	sst s2;
	s3 =	sand.u32 $0x1, s3;
	s4 =	sshll.u32 s4, $0xA  }
0xb: {  	_ =	strace $0x80000047;
	s5 =	ssub.s32 $0x2, s3;
	s7 =	sshll.u32 s3, $0x9  }
0xc: {  	s3 =	sadd.s32 $0x400, s1;
	s8 =	sshrl.u32 s5, $0x1;
	s7 =	sor.u32 s7, s4  }
0xd: {  	s4 =	sadd.s32 $0x4FA00, s1;
	s25 =	ssub.s32 s5, s8;
	s26 =	sshrl.u32 s7, $0x3  }
0xe: {  	s5 =	sadd.s32 s0, s7;
	s0 =	simm.s32 $0x0;
	s6 =	sadd.s32 s6, s26  }
0xf: {  	s7 =	smax.u32 s25, $0x1;
	s25 =	simm.s32 $0x5C00;
	s26 =	simm.s32 $0x9000  }
.LBB2_1:
0x10: {  	s1 =	simm.s32 $0x1000;
	s8 =	simm.s32 $0x20000  }
0x11: {  	[tilespmem:s2], [sflag:$0x2] =	stream.strided.gather [hbm4b:s5+s1], $0x4000, s8, s1, $0x38;
	[tilespmem:$0xAA80] =	vst v63  }
0x12: {  	_ =	swait.ge [sflag:s10], $0x4000  }
0x13: {  	[sflag:s10] =	ssyncset.done $0x0  }
0x14: {  	s12 =	simm.s32 $0xA800;
	[sflag:s10] =	ssyncadd.s32 $0xFFFFC000  }
0x15: {  	[tilespmem:s12], [sflag:$0x2] =	stream.linear.gather [hbm4b:s4+s2], $0x80, $0x38;
	[tilespmem:$0xAA80] =	vst v63  }
0x16: {  	_ =	swait.ge [sflag:s10], $0x80  }
0x17: {  	s14 =	sand.u32 $0x70, s2;
	s15 =	sand.u32 $0xC00, s2;
	[sflag:s10] =	ssyncset.done $0x0  }
0x18: {  	s1 =	sor.u32 s14, s15;
	[sflag:s10] =	ssyncadd.s32 $0xFFFFFF80  }
0x19: {  	v0 =	vld [tilespmem:s1+$0x0];
	_ =	sdelay $0x4  }
0x1a: {  	[tilespmem:s13+$0x0] =	vst v0  }
0x1b: {  	v0 =	vld [tilespmem:s1+$0x80];
	_ =	sdelay $0x2  }
0x1c: {  	s11 =	simm.s32 $0x20  }
0x1d: {  	s9 =	simm.s32 $0x4000;
	s8 =	simm.s32 $0x80;
	s1 =	simm.s32 $0x10  }
0x1e: {  	s15 =	sand.u32 $0xC00, s8;
	s12 =	sand.u32 $0x1F0, s2;
	s14 =	sand.u32 $0x70, s1;
	v0 =	vadd.s32 $0x186A0, v0  }
.LBB2_2:
0x1f: {  	p0 =	sne.s32 s11, $0x1F0;
	s14 =	sor.u32 s14, s15;
	[tilespmem:s12+$0x4200] =	vst v0  }
0x20: {  	v0 =	vld [tilespmem:s14+$0x0];
	_ =	sdelay $0x3  }
0x21: {  	s9 =	sadd.s32 $0x10, s9  }
0x22: {  	[tilespmem:s9+$0x0] =	vst v0  }
0x23: {  	v0 =	vld [tilespmem:s14+$0x80]  }
.Ltmp0:
0x24: {  	(pc) =	sbr.rel @p0 .LBB2_2-.Ltmp0, $3  }
0x25: {  	_ =	sdelay $0x1  }
0x26: {  	s12 =	sand.u32 $0x1F0, s1;
	s8 =	sadd.s32 $0x80, s8;
	s1 =	smov.u32 s11  }
0x27: {  	s11 =	sadd.s32 $0x10, s11;
	s15 =	sand.u32 $0xC00, s8;
	s14 =	sand.u32 $0x70, s1;
	v0 =	vadd.s32 $0x186A0, v0  }
0x28: {  	s8 =	sor.u32 s14, s15;
	[tilespmem:s12+$0x4200] =	vst v0  }
0x29: {  	v0 =	vld [tilespmem:s8+$0x0];
	_ =	sdelay $0x3  }
0x2a: {  	s9 =	sadd.s32 $0x10, s9  }
0x2b: {  	[tilespmem:s9+$0x0] =	vst v0  }
0x2c: {  	v0 =	vld [tilespmem:s8+$0x80];
	_ =	sdelay $0x4  }
0x2d: {  	s1 =	sand.u32 $0x1F0, s1;
	s11 =	simm.s32 $0x7400;
	s12 =	simm.s32 $0x0;
	v0 =	vadd.s32 $0x186A0, v0  }
0x2e: {  	s14 =	sand.u32 $0x70, s12;
	s15 =	sand.u32 $0xC00, s12;
	s9 =	simm.s32 $0x400;
	[tilespmem:s1+$0x4200] =	vst v0  }
0x2f: {  	[tilespmem:s11], [sflag:$0x1] =	stream.indirect.gather [hbm4b:s3+s9], $0x1, s13, s9, $0xb8;
	[tilespmem:$0xAA80] =	vst v63  }
0x30: {  	s9 =	sor.u32 s14, s15  }
0x31: {  	v0 =	vld [tilespmem:s9+$0x100];
	_ =	sdelay $0x4  }
0x32: {  	s8 =	sand.u32 $0x1F0, s12;
	v0 =	vadd.s32 $0x30D40, v0  }
0x33: {  	[tilespmem:s8+$0x4400] =	vst v0  }
0x34: {  	v0 =	vld [tilespmem:s9+$0x180];
	_ =	sdelay $0x4  }
0x35: {  	v0 =	vadd.s32 $0x493E0, v0  }
0x36: {  	[tilespmem:s8+$0x4600] =	vst v0  }
0x37: {  	v0 =	vld [tilespmem:s9+$0x200];
	_ =	sdelay $0x3  }
0x38: {  	s1 =	simm.s32 $0x10;
	s9 =	simm.s32 $0x80  }
0x39: {  	s12 =	sand.u32 $0x70, s1;
	s11 =	simm.s32 $0x20;
	s14 =	sand.u32 $0xC00, s9;
	v0 =	vadd.s32 $0x61A80, v0  }
.LBB2_4:
0x3a: {  	p0 =	sne.s32 s11, $0x1F0;
	s12 =	sor.u32 s12, s14;
	[tilespmem:s8+$0x4800] =	vst v0  }
0x3b: {  	v0 =	vld [tilespmem:s12+$0x100];
	_ =	sdelay $0x4  }
0x3c: {  	s8 =	sand.u32 $0x1F0, s1;
	s1 =	smov.u32 s11;
	v0 =	vadd.s32 $0x30D40, v0  }
0x3d: {  	[tilespmem:s8+$0x4400] =	vst v0  }
0x3e: {  	v0 =	vld [tilespmem:s12+$0x180];
	_ =	sdelay $0x4  }
0x3f: {  	v0 =	vadd.s32 $0x493E0, v0  }
0x40: {  	[tilespmem:s8+$0x4600] =	vst v0  }
0x41: {  	v0 =	vld [tilespmem:s12+$0x200]  }
.Ltmp1:
0x42: {  	(pc) =	sbr.rel @p0 .LBB2_4-.Ltmp1, $3  }
0x43: {  	_ =	sdelay $0x1  }
0x44: {  	s9 =	sadd.s32 $0x80, s9  }
0x45: {  	s11 =	sadd.s32 $0x10, s11;
	s14 =	sand.u32 $0xC00, s9;
	s12 =	sand.u32 $0x70, s1;
	v0 =	vadd.s32 $0x61A80, v0  }
0x46: {  	s9 =	sor.u32 s12, s14;
	[tilespmem:s8+$0x4800] =	vst v0  }
0x47: {  	v0 =	vld [tilespmem:s9+$0x100];
	_ =	sdelay $0x4  }
0x48: {  	s1 =	sand.u32 $0x1F0, s1;
	v0 =	vadd.s32 $0x30D40, v0  }
0x49: {  	[tilespmem:s1+$0x4400] =	vst v0  }
0x4a: {  	v0 =	vld [tilespmem:s9+$0x180];
	_ =	sdelay $0x4  }
0x4b: {  	v0 =	vadd.s32 $0x493E0, v0  }
0x4c: {  	[tilespmem:s1+$0x4600] =	vst v0  }
0x4d: {  	v0 =	vld [tilespmem:s9+$0x200];
	_ =	sdelay $0x3  }
0x4e: {  	s12 =	simm.s32 $0x0  }
0x4f: {  	s14 =	sand.u32 $0x70, s12;
	s15 =	sand.u32 $0xC00, s12;
	v0 =	vadd.s32 $0x61A80, v0  }
0x50: {  	s11 =	simm.s32 $0x600;
	s8 =	sor.u32 s14, s15;
	[tilespmem:s1+$0x4800] =	vst v0  }
0x51: {  	[tilespmem:s17], [sflag:$0x1] =	stream.indirect.gather [hbm4b:s3+s11], $0x1, s16, s11, $0xb8;
	[tilespmem:$0xAA80] =	vst v63  }
0x52: {  	v0 =	vld [tilespmem:s8+$0x280];
	_ =	sdelay $0x4  }
0x53: {  	s9 =	sand.u32 $0x1F0, s12;
	v0 =	vadd.s32 $0x7A120, v0  }
0x54: {  	[tilespmem:s9+$0x4A00] =	vst v0  }
0x55: {  	v0 =	vld [tilespmem:s8+$0x300];
	_ =	sdelay $0x4  }
0x56: {  	s1 =	sor.u32 s12, s12;
	v0 =	vadd.s32 $0x927C0, v0  }
0x57: {  	s1 =	sor.u32 $0x380, s1;
	[tilespmem:s9+$0x4C00] =	vst v0  }
0x58: {  	v0 =	vld [tilespmem:s1+$0x0];
	_ =	sdelay $0x4  }
0x59: {  	v0 =	vadd.s32 $0xAAE60, v0  }
0x5a: {  	[tilespmem:s9+$0x4E00] =	vst v0  }
0x5b: {  	v0 =	vld [tilespmem:s8+$0x1000];
	_ =	sdelay $0x3  }
0x5c: {  	s1 =	simm.s32 $0x10;
	s8 =	simm.s32 $0x80  }
0x5d: {  	s11 =	simm.s32 $0x20;
	s12 =	sand.u32 $0x70, s1;
	s14 =	sand.u32 $0xC00, s8;
	v0 =	vadd.s32 $0xC3500, v0  }
.LBB2_6:
0x5e: {  	p0 =	sne.s32 s11, $0x1F0;
	s12 =	sor.u32 s12, s14;
	[tilespmem:s9+$0x5000] =	vst v0  }
0x5f: {  	v0 =	vld [tilespmem:s12+$0x280];
	_ =	sdelay $0x4  }
0x60: {  	s9 =	sand.u32 $0x1F0, s1;
	v0 =	vadd.s32 $0x7A120, v0  }
0x61: {  	[tilespmem:s9+$0x4A00] =	vst v0  }
0x62: {  	v0 =	vld [tilespmem:s12+$0x300];
	_ =	sdelay $0x4  }
0x63: {  	s14 =	sor.u32 s8, s1;
	s1 =	smov.u32 s11;
	v0 =	vadd.s32 $0x927C0, v0  }
0x64: {  	s14 =	sor.u32 $0x380, s14;
	[tilespmem:s9+$0x4C00] =	vst v0  }
0x65: {  	v0 =	vld [tilespmem:s14+$0x0];
	_ =	sdelay $0x4  }
0x66: {  	v0 =	vadd.s32 $0xAAE60, v0  }
0x67: {  	[tilespmem:s9+$0x4E00] =	vst v0  }
0x68: {  	v0 =	vld [tilespmem:s12+$0x1000]  }
.Ltmp2:
0x69: {  	(pc) =	sbr.rel @p0 .LBB2_6-.Ltmp2, $3  }
0x6a: {  	_ =	sdelay $0x1  }
0x6b: {  	s8 =	sadd.s32 $0x80, s8  }
0x6c: {  	s11 =	sadd.s32 $0x10, s11;
	s14 =	sand.u32 $0xC00, s8;
	s12 =	sand.u32 $0x70, s1;
	v0 =	vadd.s32 $0xC3500, v0  }
0x6d: {  	s11 =	sor.u32 s12, s14;
	[tilespmem:s9+$0x5000] =	vst v0  }
0x6e: {  	v0 =	vld [tilespmem:s11+$0x280];
	_ =	sdelay $0x4  }
0x6f: {  	s15 =	sand.u32 $0x1F0, s1;
	v0 =	vadd.s32 $0x7A120, v0  }
0x70: {  	[tilespmem:s15+$0x4A00] =	vst v0  }
0x71: {  	v0 =	vld [tilespmem:s11+$0x300];
	_ =	sdelay $0x4  }
0x72: {  	s8 =	sor.u32 s8, s1;
	v0 =	vadd.s32 $0x927C0, v0  }
0x73: {  	s1 =	sor.u32 $0x380, s8;
	[tilespmem:s15+$0x4C00] =	vst v0  }
0x74: {  	v0 =	vld [tilespmem:s1+$0x0];
	_ =	sdelay $0x4  }
0x75: {  	v0 =	vadd.s32 $0xAAE60, v0  }
0x76: {  	[tilespmem:s15+$0x4E00] =	vst v0  }
0x77: {  	v0 =	vld [tilespmem:s11+$0x1000];
	_ =	sdelay $0x4  }
0x78: {  	s12 =	simm.s32 $0x0;
	v0 =	vadd.s32 $0xC3500, v0  }
0x79: {  	s14 =	sand.u32 $0x70, s12;
	[tilespmem:s15+$0x5000] =	vst v0;
	s15 =	sand.u32 $0xC00, s12  }
0x7a: {  	[tilespmem:s20], [sflag:$0x1] =	stream.indirect.gather [hbm4b:s3+s18], $0x1, s19, s18, $0xb8;
	[tilespmem:$0xAA80] =	vst v63  }
0x7b: {  	s8 =	sor.u32 s14, s15  }
0x7c: {  	v0 =	vld [tilespmem:s8+$0x1080];
	_ =	sdelay $0x4  }
0x7d: {  	s1 =	sand.u32 $0x1F0, s12;
	v0 =	vadd.s32 $0xDBBA0, v0  }
0x7e: {  	[tilespmem:s1+$0x5200] =	vst v0  }
0x7f: {  	v0 =	vld [tilespmem:s8+$0x1100];
	_ =	sdelay $0x4  }
0x80: {  	v0 =	vadd.s32 $0xF4240, v0  }
0x81: {  	[tilespmem:s1+$0x5400] =	vst v0  }
0x82: {  	v0 =	vld [tilespmem:s8+$0x1180];
	_ =	sdelay $0x4  }
0x83: {  	v0 =	vadd.s32 $0x10C8E0, v0  }
0x84: {  	[tilespmem:s1+$0x5600] =	vst v0  }
0x85: {  	v0 =	vld [tilespmem:s8+$0x1200];
	_ =	sdelay $0x4  }
0x86: {  	v0 =	vadd.s32 $0x124F80, v0  }
0x87: {  	[tilespmem:s1+$0x5800] =	vst v0  }
0x88: {  	v0 =	vld [tilespmem:s8+$0x1280];
	_ =	sdelay $0x3  }
0x89: {  	s9 =	simm.s32 $0x80;
	s8 =	simm.s32 $0x10  }
0x8a: {  	s11 =	simm.s32 $0x20;
	s14 =	sand.u32 $0xC00, s9;
	s12 =	sand.u32 $0x70, s8;
	v0 =	vadd.s32 $0x13D620, v0  }
.LBB2_8:
0x8b: {  	p0 =	sne.s32 s11, $0x1F0;
	s12 =	sor.u32 s12, s14;
	[tilespmem:s1+$0x5A00] =	vst v0  }
0x8c: {  	v0 =	vld [tilespmem:s12+$0x1080];
	_ =	sdelay $0x4  }
0x8d: {  	s1 =	sand.u32 $0x1F0, s8;
	s8 =	smov.u32 s11;
	v0 =	vadd.s32 $0xDBBA0, v0  }
0x8e: {  	[tilespmem:s1+$0x5200] =	vst v0  }
0x8f: {  	v0 =	vld [tilespmem:s12+$0x1100];
	_ =	sdelay $0x4  }
0x90: {  	v0 =	vadd.s32 $0xF4240, v0  }
0x91: {  	[tilespmem:s1+$0x5400] =	vst v0  }
0x92: {  	v0 =	vld [tilespmem:s12+$0x1180];
	_ =	sdelay $0x4  }
0x93: {  	v0 =	vadd.s32 $0x10C8E0, v0  }
0x94: {  	[tilespmem:s1+$0x5600] =	vst v0  }
0x95: {  	v0 =	vld [tilespmem:s12+$0x1200];
	_ =	sdelay $0x4  }
0x96: {  	v0 =	vadd.s32 $0x124F80, v0  }
0x97: {  	[tilespmem:s1+$0x5800] =	vst v0  }
0x98: {  	v0 =	vld [tilespmem:s12+$0x1280]  }
.Ltmp3:
0x99: {  	(pc) =	sbr.rel @p0 .LBB2_8-.Ltmp3, $3  }
0x9a: {  	_ =	sdelay $0x1  }
0x9b: {  	s9 =	sadd.s32 $0x80, s9  }
0x9c: {  	s11 =	sadd.s32 $0x10, s11;
	s14 =	sand.u32 $0xC00, s9;
	s12 =	sand.u32 $0x70, s8;
	v0 =	vadd.s32 $0x13D620, v0  }
0x9d: {  	s9 =	sor.u32 s12, s14;
	[tilespmem:s1+$0x5A00] =	vst v0  }
0x9e: {  	v0 =	vld [tilespmem:s9+$0x1080];
	_ =	sdelay $0x4  }
0x9f: {  	s11 =	sand.u32 $0x1F0, s8;
	v0 =	vadd.s32 $0xDBBA0, v0  }
0xa0: {  	[tilespmem:s11+$0x5200] =	vst v0  }
0xa1: {  	v0 =	vld [tilespmem:s9+$0x1100];
	_ =	sdelay $0x4  }
0xa2: {  	v0 =	vadd.s32 $0xF4240, v0  }
0xa3: {  	[tilespmem:s11+$0x5400] =	vst v0  }
0xa4: {  	v0 =	vld [tilespmem:s9+$0x1180];
	_ =	sdelay $0x4  }
0xa5: {  	v0 =	vadd.s32 $0x10C8E0, v0  }
0xa6: {  	[tilespmem:s11+$0x5600] =	vst v0  }
0xa7: {  	v0 =	vld [tilespmem:s9+$0x1200];
	_ =	sdelay $0x4  }
0xa8: {  	v0 =	vadd.s32 $0x124F80, v0  }
0xa9: {  	[tilespmem:s11+$0x5800] =	vst v0  }
0xaa: {  	v0 =	vld [tilespmem:s9+$0x1280];
	_ =	sdelay $0x3  }
0xab: {  	s12 =	simm.s32 $0x0  }
0xac: {  	s14 =	sand.u32 $0x70, s12;
	s15 =	sand.u32 $0xC00, s12;
	v0 =	vadd.s32 $0x13D620, v0  }
0xad: {  	s8 =	sor.u32 s14, s15;
	[tilespmem:s11+$0x5A00] =	vst v0  }
0xae: {  	[tilespmem:s23], [sflag:$0x1] =	stream.indirect.gather [hbm4b:s3+s21], $0x1, s22, s21, $0xb8;
	[tilespmem:$0xAA80] =	vst v63  }
0xaf: {  	v0 =	vld [tilespmem:s8+$0x1300];
	_ =	sdelay $0x4  }
0xb0: {  	s1 =	sand.u32 $0x1F0, s12;
	v0 =	vadd.s32 $0x155CC0, v0  }
0xb1: {  	[tilespmem:s1+$0x5C00] =	vst v0  }
0xb2: {  	v0 =	vld [tilespmem:s8+$0x1380];
	_ =	sdelay $0x4  }
0xb3: {  	v0 =	vadd.s32 $0x16E360, v0  }
0xb4: {  	[tilespmem:s1+$0x5E00] =	vst v0  }
0xb5: {  	v0 =	vld [tilespmem:s8+$0x2000];
	_ =	sdelay $0x4  }
0xb6: {  	v0 =	vadd.s32 $0x186A00, v0  }
0xb7: {  	[tilespmem:s1+$0x6000] =	vst v0  }
0xb8: {  	v0 =	vld [tilespmem:s8+$0x2080];
	_ =	sdelay $0x4  }
0xb9: {  	v0 =	vadd.s32 $0x19F0A0, v0  }
0xba: {  	[tilespmem:s1+$0x6200] =	vst v0  }
0xbb: {  	v0 =	vld [tilespmem:s8+$0x2100];
	_ =	sdelay $0x4  }
0xbc: {  	v0 =	vadd.s32 $0x1B7740, v0  }
0xbd: {  	[tilespmem:s1+$0x6400] =	vst v0  }
0xbe: {  	v0 =	vld [tilespmem:s8+$0x2180];
	_ =	sdelay $0x3  }
0xbf: {  	s9 =	simm.s32 $0x80;
	s8 =	simm.s32 $0x10  }
0xc0: {  	s14 =	sand.u32 $0xC00, s9;
	s11 =	simm.s32 $0x20;
	s12 =	sand.u32 $0x70, s8;
	v0 =	vadd.s32 $0x1CFDE0, v0  }
.LBB2_10:
0xc1: {  	p0 =	sne.s32 s11, $0x1F0;
	s12 =	sor.u32 s12, s14;
	[tilespmem:s1+$0x6600] =	vst v0  }
0xc2: {  	v0 =	vld [tilespmem:s12+$0x1300];
	_ =	sdelay $0x4  }
0xc3: {  	s1 =	sand.u32 $0x1F0, s8;
	s8 =	smov.u32 s11;
	v0 =	vadd.s32 $0x155CC0, v0  }
0xc4: {  	[tilespmem:s1+$0x5C00] =	vst v0  }
0xc5: {  	v0 =	vld [tilespmem:s12+$0x1380];
	_ =	sdelay $0x4  }
0xc6: {  	v0 =	vadd.s32 $0x16E360, v0  }
0xc7: {  	[tilespmem:s1+$0x5E00] =	vst v0  }
0xc8: {  	v0 =	vld [tilespmem:s12+$0x2000];
	_ =	sdelay $0x4  }
0xc9: {  	v0 =	vadd.s32 $0x186A00, v0  }
0xca: {  	[tilespmem:s1+$0x6000] =	vst v0  }
0xcb: {  	v0 =	vld [tilespmem:s12+$0x2080];
	_ =	sdelay $0x4  }
0xcc: {  	v0 =	vadd.s32 $0x19F0A0, v0  }
0xcd: {  	[tilespmem:s1+$0x6200] =	vst v0  }
0xce: {  	v0 =	vld [tilespmem:s12+$0x2100];
	_ =	sdelay $0x4  }
0xcf: {  	v0 =	vadd.s32 $0x1B7740, v0  }
0xd0: {  	[tilespmem:s1+$0x6400] =	vst v0  }
0xd1: {  	v0 =	vld [tilespmem:s12+$0x2180]  }
.Ltmp4:
0xd2: {  	(pc) =	sbr.rel @p0 .LBB2_10-.Ltmp4, $3  }
0xd3: {  	_ =	sdelay $0x1  }
0xd4: {  	s9 =	sadd.s32 $0x80, s9  }
0xd5: {  	s11 =	sadd.s32 $0x10, s11;
	s14 =	sand.u32 $0xC00, s9;
	s12 =	sand.u32 $0x70, s8;
	v0 =	vadd.s32 $0x1CFDE0, v0  }
0xd6: {  	s9 =	sor.u32 s12, s14;
	[tilespmem:s1+$0x6600] =	vst v0  }
0xd7: {  	v0 =	vld [tilespmem:s9+$0x1300];
	_ =	sdelay $0x4  }
0xd8: {  	s11 =	sand.u32 $0x1F0, s8;
	v0 =	vadd.s32 $0x155CC0, v0  }
0xd9: {  	[tilespmem:s11+$0x5C00] =	vst v0  }
0xda: {  	v0 =	vld [tilespmem:s9+$0x1380];
	_ =	sdelay $0x4  }
0xdb: {  	v0 =	vadd.s32 $0x16E360, v0  }
0xdc: {  	[tilespmem:s11+$0x5E00] =	vst v0  }
0xdd: {  	v0 =	vld [tilespmem:s9+$0x2000];
	_ =	sdelay $0x4  }
0xde: {  	v0 =	vadd.s32 $0x186A00, v0  }
0xdf: {  	[tilespmem:s11+$0x6000] =	vst v0  }
0xe0: {  	v0 =	vld [tilespmem:s9+$0x2080];
	_ =	sdelay $0x4  }
0xe1: {  	v0 =	vadd.s32 $0x19F0A0, v0  }
0xe2: {  	[tilespmem:s11+$0x6200] =	vst v0  }
0xe3: {  	v0 =	vld [tilespmem:s9+$0x2100];
	_ =	sdelay $0x4  }
0xe4: {  	v0 =	vadd.s32 $0x1B7740, v0  }
0xe5: {  	[tilespmem:s11+$0x6400] =	vst v0  }
0xe6: {  	v0 =	vld [tilespmem:s9+$0x2180];
	_ =	sdelay $0x3  }
0xe7: {  	s12 =	simm.s32 $0x0  }
0xe8: {  	s14 =	sand.u32 $0x70, s12;
	s15 =	sand.u32 $0xC00, s12;
	v0 =	vadd.s32 $0x1CFDE0, v0  }
0xe9: {  	s8 =	sor.u32 s14, s15;
	[tilespmem:s11+$0x6600] =	vst v0  }
0xea: {  	[tilespmem:s26], [sflag:$0x1] =	stream.indirect.gather [hbm4b:s3+s24], $0x1, s25, s24, $0xb8;
	[tilespmem:$0xAA80] =	vst v63  }
0xeb: {  	v0 =	vld [tilespmem:s8+$0x2200];
	_ =	sdelay $0x4  }
0xec: {  	s1 =	sand.u32 $0x1F0, s12;
	v0 =	vadd.s32 $0x1E8480, v0  }
0xed: {  	[tilespmem:s1+$0x6800] =	vst v0  }
0xee: {  	v0 =	vld [tilespmem:s8+$0x2280];
	_ =	sdelay $0x4  }
0xef: {  	v0 =	vadd.s32 $0x200B20, v0  }
0xf0: {  	[tilespmem:s1+$0x6A00] =	vst v0  }
0xf1: {  	v0 =	vld [tilespmem:s8+$0x2300];
	_ =	sdelay $0x4  }
0xf2: {  	v0 =	vadd.s32 $0x2191C0, v0  }
0xf3: {  	[tilespmem:s1+$0x6C00] =	vst v0  }
0xf4: {  	v0 =	vld [tilespmem:s8+$0x2380];
	_ =	sdelay $0x4  }
0xf5: {  	v0 =	vadd.s32 $0x231860, v0  }
0xf6: {  	[tilespmem:s1+$0x6E00] =	vst v0  }
0xf7: {  	v0 =	vld [tilespmem:s8+$0x3000];
	_ =	sdelay $0x4  }
0xf8: {  	v0 =	vadd.s32 $0x249F00, v0  }
0xf9: {  	[tilespmem:s1+$0x7000] =	vst v0  }
0xfa: {  	v0 =	vld [tilespmem:s8+$0x3080];
	_ =	sdelay $0x3  }
0xfb: {  	s9 =	simm.s32 $0x80;
	s8 =	simm.s32 $0x10  }
0xfc: {  	s14 =	sand.u32 $0xC00, s9;
	s11 =	simm.s32 $0x20;
	s12 =	sand.u32 $0x70, s8;
	v0 =	vadd.s32 $0x2625A0, v0  }
.LBB2_12:
0xfd: {  	p0 =	sne.s32 s11, $0x1F0;
	s12 =	sor.u32 s12, s14;
	[tilespmem:s1+$0x7200] =	vst v0  }
0xfe: {  	v0 =	vld [tilespmem:s12+$0x2200];
	_ =	sdelay $0x4  }
0xff: {  	s1 =	sand.u32 $0x1F0, s8;
	s8 =	smov.u32 s11;
	v0 =	vadd.s32 $0x1E8480, v0  }
0x100: {  	[tilespmem:s1+$0x6800] =	vst v0  }
0x101: {  	v0 =	vld [tilespmem:s12+$0x2280];
	_ =	sdelay $0x4  }
0x102: {  	v0 =	vadd.s32 $0x200B20, v0  }
0x103: {  	[tilespmem:s1+$0x6A00] =	vst v0  }
0x104: {  	v0 =	vld [tilespmem:s12+$0x2300];
	_ =	sdelay $0x4  }
0x105: {  	v0 =	vadd.s32 $0x2191C0, v0  }
0x106: {  	[tilespmem:s1+$0x6C00] =	vst v0  }
0x107: {  	v0 =	vld [tilespmem:s12+$0x2380];
	_ =	sdelay $0x4  }
0x108: {  	v0 =	vadd.s32 $0x231860, v0  }
0x109: {  	[tilespmem:s1+$0x6E00] =	vst v0  }
0x10a: {  	v0 =	vld [tilespmem:s12+$0x3000];
	_ =	sdelay $0x4  }
0x10b: {  	v0 =	vadd.s32 $0x249F00, v0  }
0x10c: {  	[tilespmem:s1+$0x7000] =	vst v0  }
0x10d: {  	v0 =	vld [tilespmem:s12+$0x3080]  }
.Ltmp5:
0x10e: {  	(pc) =	sbr.rel @p0 .LBB2_12-.Ltmp5, $3  }
0x10f: {  	_ =	sdelay $0x1  }
0x110: {  	s9 =	sadd.s32 $0x80, s9  }
0x111: {  	s11 =	sadd.s32 $0x10, s11;
	s14 =	sand.u32 $0xC00, s9;
	s12 =	sand.u32 $0x70, s8;
	v0 =	vadd.s32 $0x2625A0, v0  }
0x112: {  	s9 =	sor.u32 s12, s14;
	[tilespmem:s1+$0x7200] =	vst v0  }
0x113: {  	v0 =	vld [tilespmem:s9+$0x2200];
	_ =	sdelay $0x4  }
0x114: {  	s12 =	sand.u32 $0x1F0, s8;
	v0 =	vadd.s32 $0x1E8480, v0  }
0x115: {  	[tilespmem:s12+$0x6800] =	vst v0  }
0x116: {  	v0 =	vld [tilespmem:s9+$0x2280];
	_ =	sdelay $0x4  }
0x117: {  	v0 =	vadd.s32 $0x200B20, v0  }
0x118: {  	[tilespmem:s12+$0x6A00] =	vst v0  }
0x119: {  	v0 =	vld [tilespmem:s9+$0x2300];
	_ =	sdelay $0x4  }
0x11a: {  	v0 =	vadd.s32 $0x2191C0, v0  }
0x11b: {  	[tilespmem:s12+$0x6C00] =	vst v0  }
0x11c: {  	v0 =	vld [tilespmem:s9+$0x2380];
	_ =	sdelay $0x4  }
0x11d: {  	v0 =	vadd.s32 $0x231860, v0  }
0x11e: {  	[tilespmem:s12+$0x6E00] =	vst v0  }
0x11f: {  	v0 =	vld [tilespmem:s9+$0x3000];
	_ =	sdelay $0x4  }
0x120: {  	v0 =	vadd.s32 $0x249F00, v0  }
0x121: {  	[tilespmem:s12+$0x7000] =	vst v0  }
0x122: {  	v0 =	vld [tilespmem:s9+$0x3080];
	_ =	sdelay $0x4  }
0x123: {  	v0 =	vadd.s32 $0x2625A0, v0  }
0x124: {  	[tilespmem:s12+$0x7200] =	vst v0  }
0x125: {  	[tilespmem:s29], [sflag:$0x1] =	stream.indirect.gather [hbm4b:s3+s24], $0x1, s28, s24, $0xb8;
	[tilespmem:$0xAA80] =	vst v63  }
0x126: {  	_ =	swait.ge [sflag:s30], $0x400  }
0x127: {  	[sflag:s30] =	ssyncset.done $0x0  }
0x128: {  	s14 =	simm.s32 $0x7400;
	[sflag:s30] =	ssyncadd.s32 $0xFFFFFC00  }
0x129: {  	v0 =	vld [tilespmem:s14+$0x0]  }
0x12a: {  	s15 =	simm.s32 $0x0;
	v1 =	vld [tilespmem:$0xA800]  }
0x12b: {  	s1 =	sand.u32 $0x1F0, s15  }
0x12c: {  	v2 =	vld [tilespmem:s1+$0x7600];
	_ =	sdelay $0x2  }
0x12d: {  	v0 =	vadd.f32 v0, v1;
	_ =	sdelay $0x1  }
0x12e: {  	v0 =	vadd.f32 v2, v0  }
0x12f: {  	s1 =	simm.s32 $0xA880  }
0x130: {  	s8 =	simm.s32 $0x7410;
	[tilespmem:s1+$0x0] =	vst v0  }
0x131: {  	v0 =	vld [tilespmem:s8+$0x0]  }
0x132: {  	s11 =	simm.s32 $0x20;
	s9 =	simm.s32 $0x10;
	v1 =	vld [tilespmem:$0xA800]  }
.LBB2_14:
0x133: {  	p0 =	sne.s32 s11, $0x1F0;
	s12 =	sand.u32 $0x1F0, s9;
	s9 =	smov.u32 s11  }
0x134: {  	v2 =	vld [tilespmem:s12+$0x7600];
	_ =	sdelay $0x2  }
0x135: {  	v0 =	vadd.f32 v0, v1;
	_ =	sdelay $0x1  }
.Ltmp6:
0x136: {  	v0 =	vadd.f32 v2, v0;
	(pc) =	sbr.rel @p0 .LBB2_14-.Ltmp6, $4  }
0x137: {  	s1 =	sadd.s32 $0x10, s1  }
0x138: {  	s8 =	sadd.s32 $0x10, s8;
	[tilespmem:s1+$0x0] =	vst v0  }
0x139: {  	v0 =	vld [tilespmem:s8+$0x0]  }
0x13a: {  	s11 =	sadd.s32 $0x10, s11;
	v1 =	vld [tilespmem:$0xA800]  }
0x13b: {  	s8 =	sand.u32 $0x1F0, s9  }
0x13c: {  	v2 =	vld [tilespmem:s8+$0x7600];
	_ =	sdelay $0x2  }
0x13d: {  	v0 =	vadd.f32 v0, v1;
	_ =	sdelay $0x1  }
0x13e: {  	v0 =	vadd.f32 v2, v0  }
0x13f: {  	s1 =	sadd.s32 $0x10, s1  }
0x140: {  	[tilespmem:s1+$0x0] =	vst v0  }
0x141: {  	_ =	swait.ge [sflag:s30], $0x600  }
0x142: {  	s15 =	simm.s32 $0x0;
	[sflag:s30] =	ssyncset.done $0x0  }
0x143: {  	s9 =	sand.u32 $0x1F0, s15;
	[sflag:s30] =	ssyncadd.s32 $0xFFFFFA00  }
0x144: {  	s8 =	simm.s32 $0x10;
	s1 =	simm.s32 $0xA880;
	v0 =	vld [tilespmem:s9+$0x7800]  }
.LBB2_16:
0x145: {  	p0 =	sne.s32 s8, $0x1F0;
	v1 =	vld [tilespmem:s1+$0x0];
	_ =	sdelay $0x1  }
0x146: {  	v2 =	vld [tilespmem:s9+$0x7A00];
	_ =	sdelay $0x1  }
0x147: {  	v3 =	vld [tilespmem:s9+$0x7C00]  }
0x148: {  	v0 =	vadd.f32 v0, v1;
	_ =	sdelay $0x1  }
0x149: {  	v0 =	vadd.f32 v2, v0  }
.Ltmp7:
0x14a: {  	(pc) =	sbr.rel @p0 .LBB2_16-.Ltmp7, $3  }
0x14b: {  	v0 =	vadd.f32 v3, v0;
	_ =	sdelay $0x1  }
0x14c: {  	s9 =	sand.u32 $0x1F0, s8;
	[tilespmem:s1+$0x0] =	vst v0  }
0x14d: {  	s8 =	sadd.s32 $0x10, s8;
	s1 =	sadd.s32 $0x10, s1;
	v0 =	vld [tilespmem:s9+$0x7800]  }
0x14e: {  	v1 =	vld [tilespmem:s1+$0x0];
	_ =	sdelay $0x1  }
0x14f: {  	v2 =	vld [tilespmem:s9+$0x7A00];
	_ =	sdelay $0x1  }
0x150: {  	v3 =	vld [tilespmem:s9+$0x7C00]  }
0x151: {  	v0 =	vadd.f32 v0, v1;
	_ =	sdelay $0x1  }
0x152: {  	v0 =	vadd.f32 v2, v0;
	_ =	sdelay $0x1  }
0x153: {  	v0 =	vadd.f32 v3, v0;
	_ =	sdelay $0x1  }
0x154: {  	[tilespmem:s1+$0x0] =	vst v0  }
0x155: {  	_ =	swait.ge [sflag:s30], $0x800  }
0x156: {  	s15 =	simm.s32 $0x0;
	[sflag:s30] =	ssyncset.done $0x0  }
0x157: {  	s9 =	sand.u32 $0x1F0, s15;
	[sflag:s30] =	ssyncadd.s32 $0xFFFFF800  }
0x158: {  	s8 =	simm.s32 $0x10;
	s1 =	simm.s32 $0xA880;
	v0 =	vld [tilespmem:s9+$0x7E00]  }
.LBB2_18:
0x159: {  	p0 =	sne.s32 s8, $0x1F0;
	v1 =	vld [tilespmem:s1+$0x0];
	_ =	sdelay $0x1  }
0x15a: {  	v2 =	vld [tilespmem:s9+$0x8000];
	_ =	sdelay $0x1  }
0x15b: {  	v3 =	vld [tilespmem:s9+$0x8200]  }
0x15c: {  	v0 =	vadd.f32 v0, v1  }
0x15d: {  	v1 =	vld [tilespmem:s9+$0x8400]  }
0x15e: {  	v0 =	vadd.f32 v2, v0;
	_ =	sdelay $0x1  }
0x15f: {  	v0 =	vadd.f32 v3, v0  }
.Ltmp8:
0x160: {  	(pc) =	sbr.rel @p0 .LBB2_18-.Ltmp8, $3  }
0x161: {  	v0 =	vadd.f32 v1, v0;
	_ =	sdelay $0x1  }
0x162: {  	s9 =	sand.u32 $0x1F0, s8;
	[tilespmem:s1+$0x0] =	vst v0  }
0x163: {  	s8 =	sadd.s32 $0x10, s8;
	s1 =	sadd.s32 $0x10, s1;
	v0 =	vld [tilespmem:s9+$0x7E00]  }
0x164: {  	v1 =	vld [tilespmem:s1+$0x0];
	_ =	sdelay $0x1  }
0x165: {  	v2 =	vld [tilespmem:s9+$0x8000];
	_ =	sdelay $0x1  }
0x166: {  	v3 =	vld [tilespmem:s9+$0x8200]  }
0x167: {  	v0 =	vadd.f32 v0, v1  }
0x168: {  	v1 =	vld [tilespmem:s9+$0x8400]  }
0x169: {  	v0 =	vadd.f32 v2, v0;
	_ =	sdelay $0x1  }
0x16a: {  	v0 =	vadd.f32 v3, v0;
	_ =	sdelay $0x1  }
0x16b: {  	v0 =	vadd.f32 v1, v0;
	_ =	sdelay $0x1  }
0x16c: {  	[tilespmem:s1+$0x0] =	vst v0  }
0x16d: {  	_ =	swait.ge [sflag:s30], $0xA00  }
0x16e: {  	s15 =	simm.s32 $0x0;
	[sflag:s30] =	ssyncset.done $0x0  }
0x16f: {  	s9 =	sand.u32 $0x1F0, s15;
	[sflag:s30] =	ssyncadd.s32 $0xFFFFF600  }
0x170: {  	s8 =	simm.s32 $0x10;
	s1 =	simm.s32 $0xA880;
	v0 =	vld [tilespmem:s9+$0x8600]  }
.LBB2_20:
0x171: {  	p0 =	sne.s32 s8, $0x1F0;
	v1 =	vld [tilespmem:s1+$0x0];
	_ =	sdelay $0x1  }
0x172: {  	v2 =	vld [tilespmem:s9+$0x8800];
	_ =	sdelay $0x1  }
0x173: {  	v3 =	vld [tilespmem:s9+$0x8A00]  }
0x174: {  	v0 =	vadd.f32 v0, v1  }
0x175: {  	v1 =	vld [tilespmem:s9+$0x8C00]  }
0x176: {  	v0 =	vadd.f32 v2, v0  }
0x177: {  	v2 =	vld [tilespmem:s9+$0x8E00]  }
0x178: {  	v0 =	vadd.f32 v3, v0;
	_ =	sdelay $0x1  }
0x179: {  	v0 =	vadd.f32 v1, v0  }
.Ltmp9:
0x17a: {  	(pc) =	sbr.rel @p0 .LBB2_20-.Ltmp9, $3  }
0x17b: {  	v0 =	vadd.f32 v2, v0;
	_ =	sdelay $0x1  }
0x17c: {  	s9 =	sand.u32 $0x1F0, s8;
	[tilespmem:s1+$0x0] =	vst v0  }
0x17d: {  	s8 =	sadd.s32 $0x10, s8;
	s1 =	sadd.s32 $0x10, s1;
	v0 =	vld [tilespmem:s9+$0x8600]  }
0x17e: {  	v1 =	vld [tilespmem:s1+$0x0];
	_ =	sdelay $0x1  }
0x17f: {  	v2 =	vld [tilespmem:s9+$0x8800];
	_ =	sdelay $0x1  }
0x180: {  	v3 =	vld [tilespmem:s9+$0x8A00]  }
0x181: {  	v0 =	vadd.f32 v0, v1  }
0x182: {  	v1 =	vld [tilespmem:s9+$0x8C00]  }
0x183: {  	v0 =	vadd.f32 v2, v0  }
0x184: {  	v2 =	vld [tilespmem:s9+$0x8E00]  }
0x185: {  	v0 =	vadd.f32 v3, v0;
	_ =	sdelay $0x1  }
0x186: {  	v0 =	vadd.f32 v1, v0;
	_ =	sdelay $0x1  }
0x187: {  	v0 =	vadd.f32 v2, v0;
	_ =	sdelay $0x1  }
0x188: {  	[tilespmem:s1+$0x0] =	vst v0  }
0x189: {  	_ =	swait.ge [sflag:s30], $0xC00  }
0x18a: {  	s15 =	simm.s32 $0x0;
	[sflag:s30] =	ssyncset.done $0x0  }
0x18b: {  	s8 =	sand.u32 $0x1F0, s15;
	[sflag:s30] =	ssyncadd.s32 $0xFFFFF400  }
0x18c: {  	s9 =	simm.s32 $0x10;
	s1 =	simm.s32 $0xA880;
	v0 =	vld [tilespmem:s8+$0x9000]  }
.LBB2_22:
0x18d: {  	p0 =	sne.s32 s9, $0x1F0;
	v1 =	vld [tilespmem:s1+$0x0];
	_ =	sdelay $0x1  }
0x18e: {  	v2 =	vld [tilespmem:s8+$0x9200];
	_ =	sdelay $0x1  }
0x18f: {  	v3 =	vld [tilespmem:s8+$0x9400]  }
0x190: {  	v0 =	vadd.f32 v0, v1  }
0x191: {  	v1 =	vld [tilespmem:s8+$0x9600]  }
0x192: {  	v0 =	vadd.f32 v2, v0  }
0x193: {  	v2 =	vld [tilespmem:s8+$0x9800]  }
0x194: {  	v0 =	vadd.f32 v3, v0  }
0x195: {  	v3 =	vld [tilespmem:s8+$0x9A00]  }
0x196: {  	v0 =	vadd.f32 v1, v0;
	_ =	sdelay $0x1  }
0x197: {  	v0 =	vadd.f32 v2, v0  }
.Ltmp10:
0x198: {  	(pc) =	sbr.rel @p0 .LBB2_22-.Ltmp10, $3  }
0x199: {  	v0 =	vadd.f32 v3, v0;
	_ =	sdelay $0x1  }
0x19a: {  	s8 =	sand.u32 $0x1F0, s9;
	[tilespmem:s1+$0x0] =	vst v0  }
0x19b: {  	s9 =	sadd.s32 $0x10, s9;
	s1 =	sadd.s32 $0x10, s1;
	v0 =	vld [tilespmem:s8+$0x9000]  }
0x19c: {  	v1 =	vld [tilespmem:s1+$0x0];
	_ =	sdelay $0x1  }
0x19d: {  	v2 =	vld [tilespmem:s8+$0x9200];
	_ =	sdelay $0x1  }
0x19e: {  	v3 =	vld [tilespmem:s8+$0x9400]  }
0x19f: {  	v0 =	vadd.f32 v0, v1  }
0x1a0: {  	v1 =	vld [tilespmem:s8+$0x9600]  }
0x1a1: {  	v0 =	vadd.f32 v2, v0  }
0x1a2: {  	v2 =	vld [tilespmem:s8+$0x9800]  }
0x1a3: {  	v0 =	vadd.f32 v3, v0  }
0x1a4: {  	v3 =	vld [tilespmem:s8+$0x9A00]  }
0x1a5: {  	v0 =	vadd.f32 v1, v0;
	_ =	sdelay $0x1  }
0x1a6: {  	v0 =	vadd.f32 v2, v0;
	_ =	sdelay $0x1  }
0x1a7: {  	v0 =	vadd.f32 v3, v0;
	_ =	sdelay $0x1  }
0x1a8: {  	[tilespmem:s1+$0x0] =	vst v0  }
0x1a9: {  	_ =	swait.ge [sflag:s30], $0xC00  }
0x1aa: {  	s15 =	simm.s32 $0x0;
	[sflag:s30] =	ssyncset.done $0x0  }
0x1ab: {  	s9 =	sand.u32 $0x1F0, s15;
	[sflag:s30] =	ssyncadd.s32 $0xFFFFF400  }
0x1ac: {  	s8 =	simm.s32 $0x10;
	s1 =	simm.s32 $0xA880;
	v0 =	vld [tilespmem:s9+$0x9C00]  }
.LBB2_24:
0x1ad: {  	p0 =	sne.s32 s8, $0x1F0;
	v1 =	vld [tilespmem:s1+$0x0];
	_ =	sdelay $0x1  }
0x1ae: {  	v2 =	vld [tilespmem:s9+$0x9E00];
	_ =	sdelay $0x1  }
0x1af: {  	v3 =	vld [tilespmem:s9+$0xA000]  }
0x1b0: {  	v0 =	vadd.f32 v0, v1  }
0x1b1: {  	v1 =	vld [tilespmem:s9+$0xA200]  }
0x1b2: {  	v0 =	vadd.f32 v2, v0  }
0x1b3: {  	v2 =	vld [tilespmem:s9+$0xA400]  }
0x1b4: {  	v0 =	vadd.f32 v3, v0  }
0x1b5: {  	v3 =	vld [tilespmem:s9+$0xA600]  }
0x1b6: {  	v0 =	vadd.f32 v1, v0;
	_ =	sdelay $0x1  }
0x1b7: {  	v0 =	vadd.f32 v2, v0;
	_ =	sdelay $0x1  }
0x1b8: {  	v0 =	vadd.f32 v3, v0;
	_ =	sdelay $0x1  }
0x1b9: {  	v0 =	vsub.f32 $0.0e+00, v0;
	_ =	sdelay $0x1  }
0x1ba: {  	v0 =	vmul.f32 $1.442695020e+00, v0;
	_ =	sdelay $0x1  }
0x1bb: {  	(erf) = vpow2.f32 v0;
	_ =	sdelay $0x8  }
0x1bc: {  	v0 =	vpop (erf)  }
0x1bd: {  	v0 =	vadd.f32 $1.000000000e+00, v0;
	_ =	sdelay $0x1  }
0x1be: {  	(erf) = vrcp.f32 v0;
	_ =	sdelay $0x6  }
.Ltmp11:
0x1bf: {  	(pc) =	sbr.rel @p0 .LBB2_24-.Ltmp11, $4  }
0x1c0: {  	_ = 	snop  }
0x1c1: {  	v0 =	vpop (erf)  }
0x1c2: {  	s9 =	sand.u32 $0x1F0, s8;
	[tilespmem:s1+$0x0] =	vst v0  }
0x1c3: {  	s8 =	sadd.s32 $0x10, s8;
	s1 =	sadd.s32 $0x10, s1;
	v0 =	vld [tilespmem:s9+$0x9C00]  }
0x1c4: {  	v1 =	vld [tilespmem:s1+$0x0];
	_ =	sdelay $0x1  }
0x1c5: {  	v2 =	vld [tilespmem:s9+$0x9E00];
	_ =	sdelay $0x1  }
0x1c6: {  	v3 =	vld [tilespmem:s9+$0xA000]  }
0x1c7: {  	v0 =	vadd.f32 v0, v1  }
0x1c8: {  	v61 =	vld [tilespmem:s9+$0xA200]  }
0x1c9: {  	v0 =	vadd.f32 v2, v0  }
0x1ca: {  	v62 =	vld [tilespmem:s9+$0xA400]  }
0x1cb: {  	v0 =	vadd.f32 v3, v0  }
0x1cc: {  	v63 =	vld [tilespmem:s9+$0xA600]  }
0x1cd: {  	v0 =	vadd.f32 v61, v0;
	_ =	sdelay $0x1  }
0x1ce: {  	v0 =	vadd.f32 v62, v0;
	_ =	sdelay $0x1  }
0x1cf: {  	v0 =	vadd.f32 v63, v0;
	_ =	sdelay $0x1  }
0x1d0: {  	v0 =	vsub.f32 $0.0e+00, v0;
	_ =	sdelay $0x1  }
0x1d1: {  	v0 =	vmul.f32 $1.442695020e+00, v0;
	_ =	sdelay $0x1  }
0x1d2: {  	(erf) = vpow2.f32 v0;
	_ =	sdelay $0x8  }
0x1d3: {  	v0 =	vpop (erf)  }
0x1d4: {  	v0 =	vadd.f32 $1.000000000e+00, v0;
	_ =	sdelay $0x1  }
0x1d5: {  	(erf) = vrcp.f32 v0;
	_ =	sdelay $0x7  }
0x1d6: {  	s0 =	sadd.s32 $0x1, s0  }
0x1d7: {  	p0 =	sne.s32 s0, s7;
	v0 =	vpop (erf)  }
.Ltmp12:
0x1d8: {  	[tilespmem:s1+$0x0] =	vst v0;
	(pc) =	sbr.rel @p0 .LBB2_1-.Ltmp12, $4  }
0x1d9: {  	[hbm4b:s6+s2] =	stream.linear.scatter [tilespmem:s31], [sflag:$0x2], $0x200, $0x38;
	[tilespmem:$0xAA80] =	vst v63  }
0x1da: {  	_ =	swait.ge [sflag:s10], $0x200  }
0x1db: {  	[sflag:s10] =	ssyncset.done $0x0  }
0x1dc: {  	[sflag:s10] =	ssyncadd.s32 $0xFFFFFE00  }
0x1dd: {  	_ =	sfence.sel $0x180000  }
0x1de: {  	[bflag:$0x0] =	sbarrier.arrive $0xFFFF  }
0x1df: {  	_ =	strace $0x90000047  }
0x1e0: {  	s0 =	stileid.u32;
	[bflag:$0x2] =	sbarrier.arrive $0xFFFF  }
0x1e1: {  	p0 =	sne.s32 s0, $0x0;
	s0 =	rddreg [dreg:$0x3]  }
0x1e2: {  	s0 =	sadd.s32 @!p0 $0x100000, s0  }
0x1e3: {  	[sflag:s0] =	ssyncadd.tile.s32 @!p0 $0x1;
	_ =	shalt  }
.Lfunc_end2:
_tile_overlayer_lowered:
.L_overlay_start_2:
0x1e4: {  	(tag) =	ssettag $0x2  }
0x1e5: {  	s0 =	rddreg [dreg:$0x0];
	s2 =	stileid.u32  }
0x1e6: {  	s1 =	rddreg [dreg:$0x1];
	p0 =	sne.s32 s2, $0x0  }
0x1e7: {  	s3 =	rddreg [dreg:$0x2];
	[bflag:$0x3] =	sbarrier.arrive $0xFFFF;
	s2 =	simm.s32 @!p0 $0x1C02  }
0x1e8: {  	[timem:s3], [sflag:s2] =	dma.local @!p0 [hbm:s0], s1  }
0x1e9: {  	s0 =	simm.s32 @!p0 $0x2  }
0x1ea: {  	_ =	swait.ge @!p0 [sflag:s0], s1  }
0x1eb: {  	s1 =	ssub.s32 @!p0 $0x0, s1;
	[sflag:s0] =	ssyncset.done @!p0 $0x0  }
0x1ec: {  	[sflag:s0] =	ssyncadd.s32 @!p0 s1  }
0x1ed: {  	[bflag:$0x3] =	sbarrier.arrive $0xFFFF  }
0x1ee: {  	_ =	shalt  }

</sc_bundles>
